<compile_context>
chip_gen: v7x
topology: tpu7x:2x2x1
jax: 0.10.2.dev20260603
libtpu: 0.0.44.dev20260713+nightly
codegen_flags: <defaults>
</compile_context>

<pallas_src>
import jax
import jax.numpy as jnp
from jax import lax
from jax.experimental import pallas as pl
from jax.experimental.pallas import tpu as pltpu
from jax.experimental.pallas import tpu_sc as plsc

NCLS = 3
HWA = 10647
BATCH = 32
NGT = 8
ANC_W = (0.02, 0.04, 0.08, 0.07, 0.15, 0.14, 0.28, 0.38, 0.9)
ANC_H = (0.03, 0.07, 0.06, 0.15, 0.11, 0.29, 0.22, 0.48, 0.78)
GRID_SZ = (52, 26, 13)
CENG_OFFS = (0, 8112, 10140)

CONF_WIN = 10688
CLS_WIN = 31952
NGRP = CONF_WIN // 64
BOUT_W = 112
EPS = 1e-6



def _a_body(l_ref, t_ref, r_ref, b_ref, gl_ref, af_ref, ai_ref):
    l = l_ref[:, :]
    t = t_ref[:, :]
    r = r_ref[:, :]
    b = b_ref[:, :]
    gl = gl_ref[:, :]
    cx = (l + r) * 0.5
    cy = (t + b) * 0.5
    w = r - l
    h = b - t

    best = jnp.full_like(w, -1.0)
    ianc = jnp.zeros(w.shape, jnp.int32)
    for a in range(9):
        inter = jnp.minimum(w, ANC_W[a]) * jnp.minimum(h, ANC_H[a])
        iou = inter / (w * h + ANC_W[a] * ANC_H[a] - inter + 1e-9)
        upd = iou > best
        best = jnp.where(upd, iou, best)
        ianc = jnp.where(upd, jnp.int32(a), ianc)

    iceng = ianc // 3
    gridi = jnp.where(iceng == 0, jnp.int32(GRID_SZ[0]),
                      jnp.where(iceng == 1, jnp.int32(GRID_SZ[1]),
                                jnp.int32(GRID_SZ[2])))
    offc = jnp.where(iceng == 0, jnp.int32(CENG_OFFS[0]),
                     jnp.where(iceng == 1, jnp.int32(CENG_OFFS[1]),
                               jnp.int32(CENG_OFFS[2])))
    gridf = gridi.astype(jnp.float32)
    col = jnp.floor(cx * gridf).astype(jnp.int32)
    row = jnp.floor(cy * gridf).astype(jnp.int32)
    base = offc + (row * gridi + col) * 3
    ridx = base + (ianc - iceng * 3)
    sidx = ridx + 128

    kt_cols = []
    ks_cols = []
    for j in range(NGT):
        if j == NGT - 1:
            kt_cols.append(jnp.zeros((BATCH, 1), jnp.float32))
            ks_cols.append(jnp.zeros((BATCH, 1), jnp.float32))
            continue
        bj = base[:, j:j + 1]
        rj = ridx[:, j:j + 1]
        sj = sidx[:, j:j + 1]
        lb = base[:, j + 1:]
        lr = ridx[:, j + 1:]
        ls = sidx[:, j + 1:]
        kt = (lb == bj) | (ls == rj)
        ks = ((sj >= lb) & (sj <= lb + 2)) | (lr == sj) | (lr == rj)
        kt_cols.append(jnp.max(kt.astype(jnp.float32), axis=1, keepdims=True))
        ks_cols.append(jnp.max(ks.astype(jnp.float32), axis=1, keepdims=True))
    final_t = 1.0 - jnp.concatenate(kt_cols, axis=1)
    s_valid = (sidx < HWA).astype(jnp.float32)
    final_s = s_valid * (1.0 - jnp.concatenate(ks_cols, axis=1))
    npos = (jnp.sum(final_t, axis=1, keepdims=True)
            + jnp.sum(final_s, axis=1, keepdims=True))

    weight = 2.0 - w * h
    oh = [(gl - 1 == c).astype(jnp.float32) for c in range(NCLS)]

    nposb = npos * jnp.ones((BATCH, NGT), jnp.float32)
    af = jnp.concatenate(
        [final_t, final_s, weight, oh[0], oh[1], oh[2], l, t, r, nposb,
         jnp.zeros((BATCH, 128 - 10 * NGT), jnp.float32)], axis=1)
    af_ref[:, :] = af
    s_g = jnp.where(sidx < HWA, sidx, jnp.int32(0))
    ai = jnp.concatenate([base, base + 1, base + 2, s_g, ridx, s_g], axis=1)
    ai_ref[:, :] = ai


def _run_a(l, t, r, b, gl):
    return pl.pallas_call(
        _a_body,
        out_shape=[jax.ShapeDtypeStruct((BATCH, 128), jnp.float32),
                   jax.ShapeDtypeStruct((BATCH, 48), jnp.int32)],
    )(l, t, r, b, gl)



def _b_body(pconf_hbm, pcls_hbm, aidx_hbm, out_hbm,
            idx_v, conf_v, cls_v, out_v, sem_conf, sem_cls):
    wid = lax.axis_index("s") * 2 + lax.axis_index("c")

    pltpu.sync_copy(aidx_hbm.at[pl.ds(wid * 48, 48)], idx_v)
    cp_conf = pltpu.async_copy(
        pconf_hbm.at[pl.ds(wid * CONF_WIN, CONF_WIN)], conf_v, sem_conf)
    cp_cls = pltpu.async_copy(
        pcls_hbm.at[pl.ds(wid * CLS_WIN, CLS_WIN)], cls_v, sem_cls)
    cp_conf.wait()

    lane = lax.iota(jnp.int32, 16)
    ninf = jnp.full((16,), -jnp.inf, jnp.float32)
    idx16 = idx_v[pl.ds(32, 16)]
    conf16 = plsc.load_gather(conf_v, [idx16])
    plsc.store_scatter(conf_v, [idx_v[pl.ds(0, 16)]], ninf)
    idx2 = idx_v[pl.ds(16, 16)]
    plsc.store_scatter(conf_v, [idx2], ninf,
                       mask=(lane < 8) | (idx2 != 0))

    def p1(g, carry):
        m1, m2, m3 = carry
        for b in range(4):
            v = conf_v[pl.ds((g * 4 + b) * 16, 16)]
            t1 = jnp.maximum(m1, v)
            u = jnp.minimum(m1, v)
            t2 = jnp.maximum(m2, u)
            u = jnp.minimum(m2, u)
            m1, m2, m3 = t1, t2, jnp.maximum(m3, u)
        return m1, m2, m3

    _, _, m3 = lax.fori_loop(0, NGRP, p1, (ninf, ninf, ninf))
    thr0 = jnp.min(m3)

    def _mk_merge(v):
        def do_merge(c):
            lo_, mid_, hi_, _ = c
            rv = lax.rev(jnp.sort(v), (0,))
            hi2 = jnp.sort(jnp.maximum(hi_, rv))
            sp1 = lax.rev(jnp.sort(jnp.minimum(hi_, rv)), (0,))
            mid2 = jnp.sort(jnp.maximum(mid_, sp1))
            sp2 = lax.rev(jnp.sort(jnp.minimum(mid_, sp1)), (0,))
            lo2 = jnp.sort(jnp.maximum(lo_, sp2))
            return lo2, mid2, hi2, jnp.maximum(thr0, jnp.min(lo2))
        return do_merge

    def p2(g, carry):
        vs = [conf_v[pl.ds((g * 4 + b) * 16, 16)] for b in range(4)]
        gm = jnp.max(jnp.maximum(jnp.maximum(vs[0], vs[1]),
                                 jnp.maximum(vs[2], vs[3])))

        def hit(c):
            for v in vs:
                c = lax.cond(jnp.max(v) >= c[3], _mk_merge(v),
                             lambda x: x, c)
            return c

        return lax.cond(gm >= carry[3], hit, lambda c: c, carry)

    lo, mid, hi, _ = lax.fori_loop(0, NGRP, p2, (ninf, ninf, ninf, thr0))
    out_v[pl.ds(0, 16)] = lax.rev(hi, (0,))
    out_v[pl.ds(16, 16)] = lax.rev(mid, (0,))
    out_v[pl.ds(32, 16)] = lax.rev(lo, (0,))
    out_v[pl.ds(48, 16)] = conf16

    cp_cls.wait()
    for c in range(NCLS):
        g = plsc.load_gather(cls_v, [idx16 * 3 + c])
        out_v[pl.ds(64 + 16 * c, 16)] = g

    pltpu.sync_copy(out_v, out_hbm.at[pl.ds(wid * BOUT_W, BOUT_W)])


def _run_b(pconf_flat, pcls_flat, aidx_flat):
    mesh = plsc.VectorSubcoreMesh(core_axis_name="c", subcore_axis_name="s")
    run = pl.kernel(
        _b_body,
        out_type=jax.ShapeDtypeStruct((BATCH * BOUT_W,), jnp.float32),
        mesh=mesh,
        scratch_types=[
            pltpu.VMEM((48,), jnp.int32),
            pltpu.VMEM((CONF_WIN,), jnp.float32),
            pltpu.VMEM((CLS_WIN,), jnp.float32),
            pltpu.VMEM((BOUT_W,), jnp.float32),
            pltpu.SemaphoreType.DMA,
            pltpu.SemaphoreType.DMA,
        ],
        compiler_params=pltpu.CompilerParams(needs_layout_passes=False),
    )
    return run(pconf_flat, pcls_flat, aidx_flat)



def _bce(x, g):
    p = jnp.clip(1.0 / (1.0 + jnp.exp(-x)), EPS, 1.0 - EPS)
    return -(g * jnp.log(p) + (1.0 - g) * jnp.log(1.0 - p))


def _c_body(af_ref, bo_ref, out_ref):
    a = af_ref[:, :]
    bo = bo_ref[:, :]
    final_t = a[:, 0:8]
    final_s = a[:, 8:16]
    weight = a[:, 16:24]
    oh0 = a[:, 24:32]
    oh1 = a[:, 32:40]
    oh2 = a[:, 40:48]
    lbox = a[:, 48:56]
    tbox = a[:, 56:64]
    rbox = a[:, 64:72]
    npos = a[:, 72:73]

    best48 = bo[:, 0:48]
    conf_r = bo[:, 48:56]
    conf_s = bo[:, 56:64]
    pcr = [bo[:, 64 + 16 * c:64 + 16 * c + 8] for c in range(NCLS)]
    pcs = [bo[:, 72 + 16 * c:72 + 16 * c + 8] for c in range(NCLS)]

    npos_c = jnp.maximum(npos, 0.0009765625)
    inv = 1.0 / npos_c

    ranks = lax.broadcasted_iota(jnp.int32, (BATCH, 48), 1).astype(jnp.float32)
    sel = (ranks < 3.0 * npos).astype(jnp.float32)
    l_conf_neg = jnp.sum(_bce(best48, 0.0) * sel, axis=1, keepdims=True) * inv

    l_conf_pos = (jnp.sum(_bce(conf_r, 1.0) * final_t, axis=1, keepdims=True)
                  + jnp.sum(_bce(conf_s, weight) * final_s, axis=1,
                            keepdims=True)) * inv
    l_cls = (jnp.sum((_bce(pcr[0], oh0) + _bce(pcr[1], oh1)
                      + _bce(pcr[2], oh2)) * final_t, axis=1, keepdims=True)
             + jnp.sum((_bce(pcs[0], lbox) + _bce(pcs[1], tbox)
                        + _bce(pcs[2], rbox)) * final_s, axis=1,
                       keepdims=True)) * inv

    per_img = l_conf_pos + l_conf_neg + l_cls
    out_ref[:, :] = jnp.full((1, 1), jnp.sum(per_img) * (1.0 / BATCH),
                             jnp.float32)


def _run_c(af, bo):
    return pl.pallas_call(
        _c_body,
        out_shape=jax.ShapeDtypeStruct((1, 1), jnp.float32),
    )(af, bo)



@jax.jit
def kernel(pconf, pcls, ptxywh, gboxes_ltrb, glabels):
    del ptxywh
    b = pconf.shape[0]
    gb = gboxes_ltrb
    af, ai = _run_a(gb[:, :, 0], gb[:, :, 1], gb[:, :, 2], gb[:, :, 3],
                    glabels.astype(jnp.int32))
    pconf_flat = jnp.concatenate(
        [pconf.reshape(b, HWA),
         jnp.full((b, CONF_WIN - HWA), -jnp.inf, jnp.float32)],
        axis=1).reshape(-1)
    pcls_flat = jnp.concatenate(
        [pcls.reshape(b, HWA * NCLS),
         jnp.zeros((b, CLS_WIN - HWA * NCLS), jnp.float32)],
        axis=1).reshape(-1)
    bo = _run_b(pconf_flat, pcls_flat, ai.reshape(-1))
    out = _run_c(af, bo.reshape(b, BOUT_W))
    return out[0, 0]

# --- scband reference (transcript-rebuilt; emitter-appended) ---
"""Pipeline reference for scband-loss-yolo-v3-8761733284309 (READ-ONLY COPY).

The authoritative reference and input builder live on the scoring server;
editing this copy changes nothing except your own understanding.
"""

import jax, jax.numpy as jnp
import numpy as np

NC = 3
GDIM = 13
HWA = 10647
ANCS = jnp.array([[0.02,0.03],[0.04,0.07],[0.08,0.06],[0.07,0.15],[0.15,0.11],[0.14,0.29],[0.28,0.22],[0.38,0.48],[0.9,0.78]], dtype=jnp.float32)
GRIDS = jnp.array([52,26,13], dtype=jnp.int32)
CENG_OFF = jnp.array([0,8112,10140], dtype=jnp.int32)

def ltrb2xywh(b):
    return jnp.concatenate([(b[...,:2]+b[...,2:])/2.0, b[...,2:]-b[...,:2]], -1)

def xywh2ltrb(b):
    return jnp.concatenate([b[...,:2]-b[...,2:]/2.0, b[...,:2]+b[...,2:]/2.0], -1)

def pairwise_iou(a, b):
    lt = jnp.maximum(a[:,None,:2], b[None,:,:2])
    rb = jnp.minimum(a[:,None,2:], b[None,:,2:])
    wh = jnp.clip(rb-lt, 0.0)
    inter = wh[...,0]*wh[...,1]
    area_a = (a[:,2]-a[:,0])*(a[:,3]-a[:,1])
    area_b = (b[:,2]-b[:,0])*(b[:,3]-b[:,1])
    return inter/(area_a[:,None]+area_b[None,:]-inter+1e-9)

def x_bce(p, g):
    eps = 1e-6
    p = jnp.clip(p, eps, 1.0-eps)
    return -(g*jnp.log(p)+(1.0-g)*jnp.log(1.0-p))

def match_one(gboxes_ltrb, glabels):
    gxywh = ltrb2xywh(gboxes_ltrb)
    giou = jnp.concatenate([jnp.zeros_like(gxywh[:,:2]), gxywh[:,2:]], -1)
    anciou = jnp.concatenate([jnp.zeros_like(ANCS), ANCS], -1)
    iou2d = pairwise_iou(xywh2ltrb(giou), xywh2ltrb(anciou))
    ids_p_anc = jnp.argmax(iou2d, -1)
    onehot = jax.nn.one_hot(glabels-1, NC, dtype=jnp.float32)
    weights = 2.0 - gxywh[:,2]*gxywh[:,3]
    g = jnp.zeros((HWA, GDIM), dtype=jnp.float32)
    n_gt = gboxes_ltrb.shape[0]
    for i in range(n_gt):
        cxy = gxywh[i,:2]
        ianc = ids_p_anc[i]
        iceng = ianc//3
        ianc_off = ianc%3
        grid = GRIDS[iceng]
        gridf = grid.astype(jnp.float32)
        colrow = (cxy*gridf).astype(jnp.int32)
        col = colrow[0]; row = colrow[1]
        base = CENG_OFF[iceng] + (row*grid+col)*3
        g = g.at[base+jnp.arange(3), 0].set(-1.0)
        offset_xy = colrow.astype(jnp.float32)/gridf
        txy_g = (cxy-offset_xy)*gridf
        twh_g = jnp.log(gxywh[i,2:]/ANCS[ianc])
        t = jnp.concatenate([jnp.array([1.0], dtype=jnp.float32), onehot[i], txy_g, twh_g, weights[i][None], gboxes_ltrb[i]])
        g = g.at[base+ianc_off].set(t)
    return g

def f_ohem(lv, nums_neg, mask_pos, mask_ignore):
    masked = jnp.where(mask_pos | mask_ignore, -jnp.inf, lv)
    order = jnp.argsort(-masked, axis=-1)
    rank = jnp.argsort(order, axis=-1)
    return (rank < nums_neg[:,None]) & (~mask_pos) & (~mask_ignore)

def setup_inputs(seed: int = 0):
    key = jax.random.key(seed)
    B, NGT = 32, 8
    k1,k2,k3,k4,k5,k6 = jax.random.split(key, 6)
    pconf = jax.random.normal(k1,(B,HWA,1),dtype=jnp.float32)
    pcls = jax.random.normal(k2,(B,HWA,NC),dtype=jnp.float32)
    ptxywh = jax.random.normal(k3,(B,HWA,4),dtype=jnp.float32)
    cxy = jax.random.uniform(k4,(B,NGT,2),minval=0.1,maxval=0.9)
    wh = jax.random.uniform(k5,(B,NGT,2),minval=0.05,maxval=0.35)
    gboxes_ltrb = jnp.clip(jnp.concatenate([cxy-wh/2.0, cxy+wh/2.0], -1), 0.0, 1.0).astype(jnp.float32)
    glabels = jax.random.randint(k6,(B,NGT),1,NC+1)
    return {"pconf":pconf, "pcls":pcls, "ptxywh":ptxywh, "gboxes_ltrb":gboxes_ltrb, "glabels":glabels}

def reference(pconf, pcls, ptxywh, gboxes_ltrb, glabels):
    B = pconf.shape[0]
    gyolos = jax.vmap(match_one)(gboxes_ltrb, glabels)
    s_ = 1 + NC
    gconf = gyolos[:,:,0]
    mask_pos = gconf > 0
    mask_neg = gconf == 0
    nums_pos = jnp.clip(mask_pos.sum(-1).astype(jnp.float32), 0.0009765625)
    pcls_sig = jax.nn.sigmoid(pcls)
    gcls = gyolos[:,:,1:s_]
    lv = x_bce(pcls_sig, gcls)
    l_cls = ((lv.sum(-1)*mask_pos).sum(-1)/nums_pos).mean()
    pconf_sig = jax.nn.sigmoid(pconf).reshape(B, -1)
    mask_ignore = jnp.logical_not(jnp.logical_or(mask_pos, mask_neg))
    lv_conf = x_bce(pconf_sig, gconf)
    mask_neg_hard = f_ohem(lv_conf, nums_pos*3.0, mask_pos, mask_ignore)
    l_conf_pos = ((lv_conf*mask_pos).sum(-1)/nums_pos).mean()
    l_conf_neg = ((lv_conf*mask_neg_hard).sum(-1)/nums_pos).mean()
    weight = gyolos[:,:,s_+4]
    ptxty_sig = jax.nn.sigmoid(ptxywh[:,:,:2])
    gtxty = gyolos[:,:,s_:s_+2]
    l_txty = ((x_bce(ptxty_sig, gtxty).sum(-1)*mask_pos*weight).sum(-1)/nums_pos).mean()
    gtwth = gyolos[:,:,s_+2:s_+4]
    l_twth = ((((ptxywh[:,:,2:4]-gtwth)**2).sum(-1)*mask_pos*weight).sum(-1)/nums_pos).mean()
    l_total = l_conf_pos + l_conf_neg + l_cls + l_txty + l_twth
    return l_total

if __name__ == "__main__":
    import jax
    _d = setup_inputs()
    print(jax.jit(kernel)(*tuple(_d.values())))

</pallas_src>

<mosaic_0001>
#map = affine_map<(d0, d1) -> (0)>
module attributes {stable_mosaic.version = 14 : i64} {
  func.func @_b_body(%arg0: i32, %arg1: i32, %arg2: memref<342016xf32, #tpu.memory_space<hbm>>, %arg3: memref<1022464xf32, #tpu.memory_space<hbm>>, %arg4: memref<1536xi32, #tpu.memory_space<hbm>>, %arg5: memref<3584xf32, #tpu.memory_space<hbm>>, %arg6: memref<48xi32, #tpu.memory_space<vmem>>, %arg7: memref<10688xf32, #tpu.memory_space<vmem>>, %arg8: memref<31952xf32, #tpu.memory_space<vmem>>, %arg9: memref<112xf32, #tpu.memory_space<vmem>>, %arg10: memref<!tpu.dma_semaphore, #tpu.memory_space<semaphore_mem>>, %arg11: memref<!tpu.dma_semaphore, #tpu.memory_space<semaphore_mem>>) attributes {dimension_semantics = [#tpu.dimension_semantics<core_parallel>, #tpu.dimension_semantics<subcore_parallel>], iteration_bounds = array<i64: 2, 16>, scalar_prefetch = 0 : i64, scratch_operands = 6 : i64, tpu.core_type = #tpu.core_type<sc_vector_subcore>, window_params = [{transform_indices = #map}, {transform_indices = #map}, {transform_indices = #map}, {transform_indices = #map}]} {
    %mul3A = arith.constant 2 : i32
    %mul3A_0 = arith.muli %arg1, %mul3A : i32
    %add3A = arith.addi %mul3A_0, %arg0 : i32
    %mul3A_1 = arith.constant 48 : i32
    %mul3A_2 = arith.muli %add3A, %mul3A_1 : i32
    "tpu.region"() ({
      %run_scoped3A = tpu.sem_alloc : memref<!tpu.dma_semaphore, #tpu.memory_space<semaphore_mem>>
      %dma_start3A_87 = tpu.memref_slice %arg4[%mul3A_2] : memref<1536xi32, #tpu.memory_space<hbm>> -> memref<48xi32, #tpu.memory_space<hbm>>
      %dma_start3A_88 = tpu.memref_slice %arg4[%mul3A_2] : memref<1536xi32, #tpu.memory_space<hbm>> -> memref<48xi32, #tpu.memory_space<hbm>>
      tpu.enqueue_dma source(%dma_start3A_88 : memref<48xi32, #tpu.memory_space<hbm>>) target(%arg6 : memref<48xi32, #tpu.memory_space<vmem>>) target_semaphore(%run_scoped3A : memref<!tpu.dma_semaphore, #tpu.memory_space<semaphore_mem>>)
      %dma_wait3A_89 = tpu.memref_slice %arg4[%mul3A_2] : memref<1536xi32, #tpu.memory_space<hbm>> -> memref<48xi32, #tpu.memory_space<hbm>>
      %dma_wait3A_90 = tpu.memref_slice %arg4[%mul3A_2] : memref<1536xi32, #tpu.memory_space<hbm>> -> memref<48xi32, #tpu.memory_space<hbm>>
      tpu.wait_dma2 semaphore(%run_scoped3A : memref<!tpu.dma_semaphore, #tpu.memory_space<semaphore_mem>>) src(%dma_wait3A_90 : memref<48xi32, #tpu.memory_space<hbm>>) dst(%arg6 : memref<48xi32, #tpu.memory_space<vmem>>)
      tpu.yield
    }) : () -> ()
    %mul3A_3 = arith.constant 10688 : i32
    %mul3A_4 = arith.muli %add3A, %mul3A_3 : i32
    %dma_start3A = tpu.memref_slice %arg2[%mul3A_4] : memref<342016xf32, #tpu.memory_space<hbm>> -> memref<10688xf32, #tpu.memory_space<hbm>>
    %dma_start3A_5 = tpu.memref_slice %arg2[%mul3A_4] : memref<342016xf32, #tpu.memory_space<hbm>> -> memref<10688xf32, #tpu.memory_space<hbm>>
    tpu.enqueue_dma source(%dma_start3A_5 : memref<10688xf32, #tpu.memory_space<hbm>>) target(%arg7 : memref<10688xf32, #tpu.memory_space<vmem>>) target_semaphore(%arg10 : memref<!tpu.dma_semaphore, #tpu.memory_space<semaphore_mem>>)
    %mul3A_6 = arith.constant 31952 : i32
    %mul3A_7 = arith.muli %add3A, %mul3A_6 : i32
    %dma_start3A_8 = tpu.memref_slice %arg3[%mul3A_7] : memref<1022464xf32, #tpu.memory_space<hbm>> -> memref<31952xf32, #tpu.memory_space<hbm>>
    %dma_start3A_9 = tpu.memref_slice %arg3[%mul3A_7] : memref<1022464xf32, #tpu.memory_space<hbm>> -> memref<31952xf32, #tpu.memory_space<hbm>>
    tpu.enqueue_dma source(%dma_start3A_9 : memref<31952xf32, #tpu.memory_space<hbm>>) target(%arg8 : memref<31952xf32, #tpu.memory_space<vmem>>) target_semaphore(%arg11 : memref<!tpu.dma_semaphore, #tpu.memory_space<semaphore_mem>>)
    %dma_wait3A = tpu.memref_slice %arg2[%mul3A_4] : memref<342016xf32, #tpu.memory_space<hbm>> -> memref<10688xf32, #tpu.memory_space<hbm>>
    %dma_wait3A_10 = tpu.memref_slice %arg2[%mul3A_4] : memref<342016xf32, #tpu.memory_space<hbm>> -> memref<10688xf32, #tpu.memory_space<hbm>>
    tpu.wait_dma2 semaphore(%arg10 : memref<!tpu.dma_semaphore, #tpu.memory_space<semaphore_mem>>) src(%dma_wait3A_10 : memref<10688xf32, #tpu.memory_space<hbm>>) dst(%arg7 : memref<10688xf32, #tpu.memory_space<vmem>>)
    %iota3A = tpu.iota {dimensions = array<i32: 0>} : vector<16xi32>
    %broadcast_in_dim3A = arith.constant 0xFF800000 : f32
    %broadcast_in_dim3A_11 = vector.broadcast %broadcast_in_dim3A : f32 to vector<16xf32>
    %get3A = arith.constant 32 : index
    %get3A_12 = tpu.vector_load %arg6[%get3A] {strides = array<i32>} : memref<48xi32, #tpu.memory_space<vmem>>, vector<16xi32>,
    %gather3A = tpu.vector_load_idx %arg7[%get3A_12] : memref<10688xf32, #tpu.memory_space<vmem>>[vector<16xi32>], vector<16xf32>,
    %get3A_13 = arith.constant 0 : index
    %get3A_14 = tpu.vector_load %arg6[%get3A_13] {strides = array<i32>} : memref<48xi32, #tpu.memory_space<vmem>>, vector<16xi32>,
    tpu.vector_store_idx %arg7[%get3A_14], %broadcast_in_dim3A_11 : memref<10688xf32, #tpu.memory_space<vmem>>[vector<16xi32>], vector<16xf32>,
    %get3A_15 = arith.constant 16 : index
    %get3A_16 = tpu.vector_load %arg6[%get3A_15] {strides = array<i32>} : memref<48xi32, #tpu.memory_space<vmem>>, vector<16xi32>,
    %lt3A = arith.constant 8 : i32
    %lt3A_17 = vector.broadcast %lt3A : i32 to vector<16xi32>
    %lt3A_18 = arith.cmpi slt, %iota3A, %lt3A_17 : vector<16xi32>
    %ne3A = arith.constant 0 : i32
    %ne3A_19 = vector.broadcast %ne3A : i32 to vector<16xi32>
    %ne3A_20 = arith.cmpi ne, %get3A_16, %ne3A_19 : vector<16xi32>
    %or3A = arith.ori %lt3A_18, %ne3A_20 : vector<16xi1>
    tpu.vector_store_idx %arg7[%get3A_16], %broadcast_in_dim3A_11 masked %or3A : memref<10688xf32, #tpu.memory_space<vmem>>[vector<16xi32>], vector<16xf32>, vector<16xi1>
    %scan3A = arith.constant 0 : i32
    %scan3A_21 = arith.constant 167 : i32
    %scan3A_22 = arith.addi %scan3A, %scan3A_21 : i32
    %scan3A_23 = arith.constant 1 : i32
    %scan3A_24:3 = scf.for %scan3A_87 = %scan3A to %scan3A_22 step %scan3A_23 iter_args(%scan3A_88 = %broadcast_in_dim3A_11, %scan3A_89 = %broadcast_in_dim3A_11, %scan3A_90 = %broadcast_in_dim3A_11) -> (vector<16xf32>, vector<16xf32>, vector<16xf32>)  : i32 {
      %mul3A_91 = arith.constant 4 : i32
      %mul3A_92 = arith.muli %scan3A_87, %mul3A_91 : i32
      %add3A_93 = arith.constant 0 : i32
      %add3A_94 = arith.addi %mul3A_92, %add3A_93 : i32
      %mul3A_95 = arith.constant 16 : i32
      %mul3A_96 = arith.muli %add3A_94, %mul3A_95 : i32
      %get3A_97 = arith.index_cast %mul3A_96 : i32 to index
      %get3A_98 = tpu.vector_load %arg7[%get3A_97] {strides = array<i32>} : memref<10688xf32, #tpu.memory_space<vmem>>, vector<16xf32>,
      %max3A = arith.maximumf %scan3A_88, %get3A_98 : vector<16xf32>
      %min3A = arith.minimumf %scan3A_88, %get3A_98 : vector<16xf32>
      %max3A_99 = arith.maximumf %scan3A_89, %min3A : vector<16xf32>
      %min3A_100 = arith.minimumf %scan3A_89, %min3A : vector<16xf32>
      %max3A_101 = arith.maximumf %scan3A_90, %min3A_100 : vector<16xf32>
      %mul3A_102 = arith.constant 4 : i32
      %mul3A_103 = arith.muli %scan3A_87, %mul3A_102 : i32
      %add3A_104 = arith.constant 1 : i32
      %add3A_105 = arith.addi %mul3A_103, %add3A_104 : i32
      %mul3A_106 = arith.constant 16 : i32
      %mul3A_107 = arith.muli %add3A_105, %mul3A_106 : i32
      %get3A_108 = arith.index_cast %mul3A_107 : i32 to index
      %get3A_109 = tpu.vector_load %arg7[%get3A_108] {strides = array<i32>} : memref<10688xf32, #tpu.memory_space<vmem>>, vector<16xf32>,
      %max3A_110 = arith.maximumf %max3A, %get3A_109 : vector<16xf32>
      %min3A_111 = arith.minimumf %max3A, %get3A_109 : vector<16xf32>
      %max3A_112 = arith.maximumf %max3A_99, %min3A_111 : vector<16xf32>
      %min3A_113 = arith.minimumf %max3A_99, %min3A_111 : vector<16xf32>
      %max3A_114 = arith.maximumf %max3A_101, %min3A_113 : vector<16xf32>
      %mul3A_115 = arith.constant 4 : i32
      %mul3A_116 = arith.muli %scan3A_87, %mul3A_115 : i32
      %add3A_117 = arith.constant 2 : i32
      %add3A_118 = arith.addi %mul3A_116, %add3A_117 : i32
      %mul3A_119 = arith.constant 16 : i32
      %mul3A_120 = arith.muli %add3A_118, %mul3A_119 : i32
      %get3A_121 = arith.index_cast %mul3A_120 : i32 to index
      %get3A_122 = tpu.vector_load %arg7[%get3A_121] {strides = array<i32>} : memref<10688xf32, #tpu.memory_space<vmem>>, vector<16xf32>,
      %max3A_123 = arith.maximumf %max3A_110, %get3A_122 : vector<16xf32>
      %min3A_124 = arith.minimumf %max3A_110, %get3A_122 : vector<16xf32>
      %max3A_125 = arith.maximumf %max3A_112, %min3A_124 : vector<16xf32>
      %min3A_126 = arith.minimumf %max3A_112, %min3A_124 : vector<16xf32>
      %max3A_127 = arith.maximumf %max3A_114, %min3A_126 : vector<16xf32>
      %mul3A_128 = arith.constant 4 : i32
      %mul3A_129 = arith.muli %scan3A_87, %mul3A_128 : i32
      %add3A_130 = arith.constant 3 : i32
      %add3A_131 = arith.addi %mul3A_129, %add3A_130 : i32
      %mul3A_132 = arith.constant 16 : i32
      %mul3A_133 = arith.muli %add3A_131, %mul3A_132 : i32
      %get3A_134 = arith.index_cast %mul3A_133 : i32 to index
      %get3A_135 = tpu.vector_load %arg7[%get3A_134] {strides = array<i32>} : memref<10688xf32, #tpu.memory_space<vmem>>, vector<16xf32>,
      %max3A_136 = arith.maximumf %max3A_123, %get3A_135 : vector<16xf32>
      %min3A_137 = arith.minimumf %max3A_123, %get3A_135 : vector<16xf32>
      %max3A_138 = arith.maximumf %max3A_125, %min3A_137 : vector<16xf32>
      %min3A_139 = arith.minimumf %max3A_125, %min3A_137 : vector<16xf32>
      %max3A_140 = arith.maximumf %max3A_127, %min3A_139 : vector<16xf32>
      scf.yield %max3A_136, %max3A_138, %max3A_140 : vector<16xf32>, vector<16xf32>, vector<16xf32>
    }
    %scan3A_25 = arith.constant 167 : i32
    %reduce_min3A = arith.constant true
    %reduce_min3A_26 = vector.broadcast %reduce_min3A : i1 to vector<16xi1>
    %reduce_min3A_27 = tpu.scan <min>, %scan3A_24#2 masked %reduce_min3A_26 : vector<16xf32>, vector<16xi1> -> vector<16xf32>
    %reduce_min3A_28 = vector.extract %reduce_min3A_27[15] : f32 from vector<16xf32>
    %scan3A_29 = arith.constant 0 : i32
    %scan3A_30 = arith.constant 167 : i32
    %scan3A_31 = arith.addi %scan3A_29, %scan3A_30 : i32
    %scan3A_32 = arith.constant 1 : i32
    %scan3A_33:4 = scf.for %scan3A_87 = %scan3A_29 to %scan3A_31 step %scan3A_32 iter_args(%scan3A_88 = %broadcast_in_dim3A_11, %scan3A_89 = %broadcast_in_dim3A_11, %scan3A_90 = %broadcast_in_dim3A_11, %scan3A_91 = %reduce_min3A_28) -> (vector<16xf32>, vector<16xf32>, vector<16xf32>, f32)  : i32 {
      %mul3A_92 = arith.constant 4 : i32
      %mul3A_93 = arith.muli %scan3A_87, %mul3A_92 : i32
      %add3A_94 = arith.constant 0 : i32
      %add3A_95 = arith.addi %mul3A_93, %add3A_94 : i32
      %mul3A_96 = arith.constant 16 : i32
      %mul3A_97 = arith.muli %add3A_95, %mul3A_96 : i32
      %get3A_98 = arith.index_cast %mul3A_97 : i32 to index
      %get3A_99 = tpu.vector_load %arg7[%get3A_98] {strides = array<i32>} : memref<10688xf32, #tpu.memory_space<vmem>>, vector<16xf32>,
      %mul3A_100 = arith.constant 4 : i32
      %mul3A_101 = arith.muli %scan3A_87, %mul3A_100 : i32
      %add3A_102 = arith.constant 1 : i32
      %add3A_103 = arith.addi %mul3A_101, %add3A_102 : i32
      %mul3A_104 = arith.constant 16 : i32
      %mul3A_105 = arith.muli %add3A_103, %mul3A_104 : i32
      %get3A_106 = arith.index_cast %mul3A_105 : i32 to index
      %get3A_107 = tpu.vector_load %arg7[%get3A_106] {strides = array<i32>} : memref<10688xf32, #tpu.memory_space<vmem>>, vector<16xf32>,
      %mul3A_108 = arith.constant 4 : i32
      %mul3A_109 = arith.muli %scan3A_87, %mul3A_108 : i32
      %add3A_110 = arith.constant 2 : i32
      %add3A_111 = arith.addi %mul3A_109, %add3A_110 : i32
      %mul3A_112 = arith.constant 16 : i32
      %mul3A_113 = arith.muli %add3A_111, %mul3A_112 : i32
      %get3A_114 = arith.index_cast %mul3A_113 : i32 to index
      %get3A_115 = tpu.vector_load %arg7[%get3A_114] {strides = array<i32>} : memref<10688xf32, #tpu.memory_space<vmem>>, vector<16xf32>,
      %mul3A_116 = arith.constant 4 : i32
      %mul3A_117 = arith.muli %scan3A_87, %mul3A_116 : i32
      %add3A_118 = arith.constant 3 : i32
      %add3A_119 = arith.addi %mul3A_117, %add3A_118 : i32
      %mul3A_120 = arith.constant 16 : i32
      %mul3A_121 = arith.muli %add3A_119, %mul3A_120 : i32
      %get3A_122 = arith.index_cast %mul3A_121 : i32 to index
      %get3A_123 = tpu.vector_load %arg7[%get3A_122] {strides = array<i32>} : memref<10688xf32, #tpu.memory_space<vmem>>, vector<16xf32>,
      %max3A = arith.maximumf %get3A_99, %get3A_107 : vector<16xf32>
      %max3A_124 = arith.maximumf %get3A_115, %get3A_123 : vector<16xf32>
      %max3A_125 = arith.maximumf %max3A, %max3A_124 : vector<16xf32>
      %reduce_max3A = arith.constant true
      %reduce_max3A_126 = vector.broadcast %reduce_max3A : i1 to vector<16xi1>
      %reduce_max3A_127 = tpu.scan <max>, %max3A_125 masked %reduce_max3A_126 : vector<16xf32>, vector<16xi1> -> vector<16xf32>
      %reduce_max3A_128 = vector.extract %reduce_max3A_127[15] : f32 from vector<16xf32>
      %ge3A = arith.cmpf oge, %reduce_max3A_128, %scan3A_91 : f32
      %convert_element_type3A = arith.extui %ge3A : i1 to i32
      %cond3A = arith.constant 0 : i32
      %cond3A_129 = arith.cmpi ne, %convert_element_type3A, %cond3A : i32
      %cond3A_130:4 = scf.if %cond3A_129 -> (vector<16xf32>, vector<16xf32>, vector<16xf32>, f32) {
        %reduce_max3A_131 = arith.constant true
        %reduce_max3A_132 = vector.broadcast %reduce_max3A_131 : i1 to vector<16xi1>
        %reduce_max3A_133 = tpu.scan <max>, %get3A_99 masked %reduce_max3A_132 : vector<16xf32>, vector<16xi1> -> vector<16xf32>
        %reduce_max3A_134 = vector.extract %reduce_max3A_133[15] : f32 from vector<16xf32>
        %ge3A_135 = arith.cmpf oge, %reduce_max3A_134, %scan3A_91 : f32
        %convert_element_type3A_136 = arith.extui %ge3A_135 : i1 to i32
        %cond3A_137 = arith.constant 0 : i32
        %cond3A_138 = arith.cmpi ne, %convert_element_type3A_136, %cond3A_137 : i32
        %cond3A_139:4 = scf.if %cond3A_138 -> (vector<16xf32>, vector<16xf32>, vector<16xf32>, f32) {
          %sort3A = arith.constant dense<true> : vector<16xi1>
          %sort3A_167, %sort3A_168, %sort3A_169 = tpu.sort %get3A_99, %get3A_99 masked %sort3A : (vector<16xf32>, vector<16xf32>, vector<16xi1>) -> (vector<16xi1>, vector<16xf32>, vector<16xf32>)
          %rev3A_170 = arith.constant 15 : i32
          %rev3A_171 = vector.broadcast %rev3A_170 : i32 to vector<16xi32>
          %rev3A_172 = tpu.iota {dimensions = array<i32: 0>} : vector<16xi32>
          %rev3A_173 = arith.subi %rev3A_171, %rev3A_172 : vector<16xi32>
          %rev3A_174 = tpu.dynamic_gather %sort3A_168[%rev3A_173] in [0] : vector<16xf32>, vector<16xi32> -> vector<16xf32>
          %max3A_175 = arith.maximumf %scan3A_90, %rev3A_174 : vector<16xf32>
          %sort3A_176 = arith.constant dense<true> : vector<16xi1>
          %sort3A_177, %sort3A_178, %sort3A_179 = tpu.sort %max3A_175, %max3A_175 masked %sort3A_176 : (vector<16xf32>, vector<16xf32>, vector<16xi1>) -> (vector<16xi1>, vector<16xf32>, vector<16xf32>)
          %min3A = arith.minimumf %scan3A_90, %rev3A_174 : vector<16xf32>
          %sort3A_180 = arith.constant dense<true> : vector<16xi1>
          %sort3A_181, %sort3A_182, %sort3A_183 = tpu.sort %min3A, %min3A masked %sort3A_180 : (vector<16xf32>, vector<16xf32>, vector<16xi1>) -> (vector<16xi1>, vector<16xf32>, vector<16xf32>)
          %rev3A_184 = arith.constant 15 : i32
          %rev3A_185 = vector.broadcast %rev3A_184 : i32 to vector<16xi32>
          %rev3A_186 = tpu.iota {dimensions = array<i32: 0>} : vector<16xi32>
          %rev3A_187 = arith.subi %rev3A_185, %rev3A_186 : vector<16xi32>
          %rev3A_188 = tpu.dynamic_gather %sort3A_182[%rev3A_187] in [0] : vector<16xf32>, vector<16xi32> -> vector<16xf32>
          %max3A_189 = arith.maximumf %scan3A_89, %rev3A_188 : vector<16xf32>
          %sort3A_190 = arith.constant dense<true> : vector<16xi1>
          %sort3A_191, %sort3A_192, %sort3A_193 = tpu.sort %max3A_189, %max3A_189 masked %sort3A_190 : (vector<16xf32>, vector<16xf32>, vector<16xi1>) -> (vector<16xi1>, vector<16xf32>, vector<16xf32>)
          %min3A_194 = arith.minimumf %scan3A_89, %rev3A_188 : vector<16xf32>
          %sort3A_195 = arith.constant dense<true> : vector<16xi1>
          %sort3A_196, %sort3A_197, %sort3A_198 = tpu.sort %min3A_194, %min3A_194 masked %sort3A_195 : (vector<16xf32>, vector<16xf32>, vector<16xi1>) -> (vector<16xi1>, vector<16xf32>, vector<16xf32>)
          %rev3A_199 = arith.constant 15 : i32
          %rev3A_200 = vector.broadcast %rev3A_199 : i32 to vector<16xi32>
          %rev3A_201 = tpu.iota {dimensions = array<i32: 0>} : vector<16xi32>
          %rev3A_202 = arith.subi %rev3A_200, %rev3A_201 : vector<16xi32>
          %rev3A_203 = tpu.dynamic_gather %sort3A_197[%rev3A_202] in [0] : vector<16xf32>, vector<16xi32> -> vector<16xf32>
          %max3A_204 = arith.maximumf %scan3A_88, %rev3A_203 : vector<16xf32>
          %sort3A_205 = arith.constant dense<true> : vector<16xi1>
          %sort3A_206, %sort3A_207, %sort3A_208 = tpu.sort %max3A_204, %max3A_204 masked %sort3A_205 : (vector<16xf32>, vector<16xf32>, vector<16xi1>) -> (vector<16xi1>, vector<16xf32>, vector<16xf32>)
          %reduce_min3A_209 = arith.constant true
          %reduce_min3A_210 = vector.broadcast %reduce_min3A_209 : i1 to vector<16xi1>
          %reduce_min3A_211 = tpu.scan <min>, %sort3A_207 masked %reduce_min3A_210 : vector<16xf32>, vector<16xi1> -> vector<16xf32>
          %reduce_min3A_212 = vector.extract %reduce_min3A_211[15] : f32 from vector<16xf32>
          %max3A_213 = arith.maximumf %reduce_min3A_28, %reduce_min3A_212 : f32
          scf.yield %sort3A_207, %sort3A_192, %sort3A_178, %max3A_213 : vector<16xf32>, vector<16xf32>, vector<16xf32>, f32
        } else {
          scf.yield %scan3A_88, %scan3A_89, %scan3A_90, %scan3A_91 : vector<16xf32>, vector<16xf32>, vector<16xf32>, f32
        }
        %reduce_max3A_140 = arith.constant true
        %reduce_max3A_141 = vector.broadcast %reduce_max3A_140 : i1 to vector<16xi1>
        %reduce_max3A_142 = tpu.scan <max>, %get3A_107 masked %reduce_max3A_141 : vector<16xf32>, vector<16xi1> -> vector<16xf32>
        %reduce_max3A_143 = vector.extract %reduce_max3A_142[15] : f32 from vector<16xf32>
        %ge3A_144 = arith.cmpf oge, %reduce_max3A_143, %cond3A_139#3 : f32
        %convert_element_type3A_145 = arith.extui %ge3A_144 : i1 to i32
        %cond3A_146 = arith.constant 0 : i32
        %cond3A_147 = arith.cmpi ne, %convert_element_type3A_145, %cond3A_146 : i32
        %cond3A_148:4 = scf.if %cond3A_147 -> (vector<16xf32>, vector<16xf32>, vector<16xf32>, f32) {
          %sort3A = arith.constant dense<true> : vector<16xi1>
          %sort3A_167, %sort3A_168, %sort3A_169 = tpu.sort %get3A_107, %get3A_107 masked %sort3A : (vector<16xf32>, vector<16xf32>, vector<16xi1>) -> (vector<16xi1>, vector<16xf32>, vector<16xf32>)
          %rev3A_170 = arith.constant 15 : i32
          %rev3A_171 = vector.broadcast %rev3A_170 : i32 to vector<16xi32>
          %rev3A_172 = tpu.iota {dimensions = array<i32: 0>} : vector<16xi32>
          %rev3A_173 = arith.subi %rev3A_171, %rev3A_172 : vector<16xi32>
          %rev3A_174 = tpu.dynamic_gather %sort3A_168[%rev3A_173] in [0] : vector<16xf32>, vector<16xi32> -> vector<16xf32>
          %max3A_175 = arith.maximumf %cond3A_139#2, %rev3A_174 : vector<16xf32>
          %sort3A_176 = arith.constant dense<true> : vector<16xi1>
          %sort3A_177, %sort3A_178, %sort3A_179 = tpu.sort %max3A_175, %max3A_175 masked %sort3A_176 : (vector<16xf32>, vector<16xf32>, vector<16xi1>) -> (vector<16xi1>, vector<16xf32>, vector<16xf32>)
          %min3A = arith.minimumf %cond3A_139#2, %rev3A_174 : vector<16xf32>
          %sort3A_180 = arith.constant dense<true> : vector<16xi1>
          %sort3A_181, %sort3A_182, %sort3A_183 = tpu.sort %min3A, %min3A masked %sort3A_180 : (vector<16xf32>, vector<16xf32>, vector<16xi1>) -> (vector<16xi1>, vector<16xf32>, vector<16xf32>)
          %rev3A_184 = arith.constant 15 : i32
          %rev3A_185 = vector.broadcast %rev3A_184 : i32 to vector<16xi32>
          %rev3A_186 = tpu.iota {dimensions = array<i32: 0>} : vector<16xi32>
          %rev3A_187 = arith.subi %rev3A_185, %rev3A_186 : vector<16xi32>
          %rev3A_188 = tpu.dynamic_gather %sort3A_182[%rev3A_187] in [0] : vector<16xf32>, vector<16xi32> -> vector<16xf32>
          %max3A_189 = arith.maximumf %cond3A_139#1, %rev3A_188 : vector<16xf32>
          %sort3A_190 = arith.constant dense<true> : vector<16xi1>
          %sort3A_191, %sort3A_192, %sort3A_193 = tpu.sort %max3A_189, %max3A_189 masked %sort3A_190 : (vector<16xf32>, vector<16xf32>, vector<16xi1>) -> (vector<16xi1>, vector<16xf32>, vector<16xf32>)
          %min3A_194 = arith.minimumf %cond3A_139#1, %rev3A_188 : vector<16xf32>
          %sort3A_195 = arith.constant dense<true> : vector<16xi1>
          %sort3A_196, %sort3A_197, %sort3A_198 = tpu.sort %min3A_194, %min3A_194 masked %sort3A_195 : (vector<16xf32>, vector<16xf32>, vector<16xi1>) -> (vector<16xi1>, vector<16xf32>, vector<16xf32>)
          %rev3A_199 = arith.constant 15 : i32
          %rev3A_200 = vector.broadcast %rev3A_199 : i32 to vector<16xi32>
          %rev3A_201 = tpu.iota {dimensions = array<i32: 0>} : vector<16xi32>
          %rev3A_202 = arith.subi %rev3A_200, %rev3A_201 : vector<16xi32>
          %rev3A_203 = tpu.dynamic_gather %sort3A_197[%rev3A_202] in [0] : vector<16xf32>, vector<16xi32> -> vector<16xf32>
          %max3A_204 = arith.maximumf %cond3A_139#0, %rev3A_203 : vector<16xf32>
          %sort3A_205 = arith.constant dense<true> : vector<16xi1>
          %sort3A_206, %sort3A_207, %sort3A_208 = tpu.sort %max3A_204, %max3A_204 masked %sort3A_205 : (vector<16xf32>, vector<16xf32>, vector<16xi1>) -> (vector<16xi1>, vector<16xf32>, vector<16xf32>)
          %reduce_min3A_209 = arith.constant true
          %reduce_min3A_210 = vector.broadcast %reduce_min3A_209 : i1 to vector<16xi1>
          %reduce_min3A_211 = tpu.scan <min>, %sort3A_207 masked %reduce_min3A_210 : vector<16xf32>, vector<16xi1> -> vector<16xf32>
          %reduce_min3A_212 = vector.extract %reduce_min3A_211[15] : f32 from vector<16xf32>
          %max3A_213 = arith.maximumf %reduce_min3A_28, %reduce_min3A_212 : f32
          scf.yield %sort3A_207, %sort3A_192, %sort3A_178, %max3A_213 : vector<16xf32>, vector<16xf32>, vector<16xf32>, f32
        } else {
          scf.yield %cond3A_139#0, %cond3A_139#1, %cond3A_139#2, %cond3A_139#3 : vector<16xf32>, vector<16xf32>, vector<16xf32>, f32
        }
        %reduce_max3A_149 = arith.constant true
        %reduce_max3A_150 = vector.broadcast %reduce_max3A_149 : i1 to vector<16xi1>
        %reduce_max3A_151 = tpu.scan <max>, %get3A_115 masked %reduce_max3A_150 : vector<16xf32>, vector<16xi1> -> vector<16xf32>
        %reduce_max3A_152 = vector.extract %reduce_max3A_151[15] : f32 from vector<16xf32>
        %ge3A_153 = arith.cmpf oge, %reduce_max3A_152, %cond3A_148#3 : f32
        %convert_element_type3A_154 = arith.extui %ge3A_153 : i1 to i32
        %cond3A_155 = arith.constant 0 : i32
        %cond3A_156 = arith.cmpi ne, %convert_element_type3A_154, %cond3A_155 : i32
        %cond3A_157:4 = scf.if %cond3A_156 -> (vector<16xf32>, vector<16xf32>, vector<16xf32>, f32) {
          %sort3A = arith.constant dense<true> : vector<16xi1>
          %sort3A_167, %sort3A_168, %sort3A_169 = tpu.sort %get3A_115, %get3A_115 masked %sort3A : (vector<16xf32>, vector<16xf32>, vector<16xi1>) -> (vector<16xi1>, vector<16xf32>, vector<16xf32>)
          %rev3A_170 = arith.constant 15 : i32
          %rev3A_171 = vector.broadcast %rev3A_170 : i32 to vector<16xi32>
          %rev3A_172 = tpu.iota {dimensions = array<i32: 0>} : vector<16xi32>
          %rev3A_173 = arith.subi %rev3A_171, %rev3A_172 : vector<16xi32>
          %rev3A_174 = tpu.dynamic_gather %sort3A_168[%rev3A_173] in [0] : vector<16xf32>, vector<16xi32> -> vector<16xf32>
          %max3A_175 = arith.maximumf %cond3A_148#2, %rev3A_174 : vector<16xf32>
          %sort3A_176 = arith.constant dense<true> : vector<16xi1>
          %sort3A_177, %sort3A_178, %sort3A_179 = tpu.sort %max3A_175, %max3A_175 masked %sort3A_176 : (vector<16xf32>, vector<16xf32>, vector<16xi1>) -> (vector<16xi1>, vector<16xf32>, vector<16xf32>)
          %min3A = arith.minimumf %cond3A_148#2, %rev3A_174 : vector<16xf32>
          %sort3A_180 = arith.constant dense<true> : vector<16xi1>
          %sort3A_181, %sort3A_182, %sort3A_183 = tpu.sort %min3A, %min3A masked %sort3A_180 : (vector<16xf32>, vector<16xf32>, vector<16xi1>) -> (vector<16xi1>, vector<16xf32>, vector<16xf32>)
          %rev3A_184 = arith.constant 15 : i32
          %rev3A_185 = vector.broadcast %rev3A_184 : i32 to vector<16xi32>
          %rev3A_186 = tpu.iota {dimensions = array<i32: 0>} : vector<16xi32>
          %rev3A_187 = arith.subi %rev3A_185, %rev3A_186 : vector<16xi32>
          %rev3A_188 = tpu.dynamic_gather %sort3A_182[%rev3A_187] in [0] : vector<16xf32>, vector<16xi32> -> vector<16xf32>
          %max3A_189 = arith.maximumf %cond3A_148#1, %rev3A_188 : vector<16xf32>
          %sort3A_190 = arith.constant dense<true> : vector<16xi1>
          %sort3A_191, %sort3A_192, %sort3A_193 = tpu.sort %max3A_189, %max3A_189 masked %sort3A_190 : (vector<16xf32>, vector<16xf32>, vector<16xi1>) -> (vector<16xi1>, vector<16xf32>, vector<16xf32>)
          %min3A_194 = arith.minimumf %cond3A_148#1, %rev3A_188 : vector<16xf32>
          %sort3A_195 = arith.constant dense<true> : vector<16xi1>
          %sort3A_196, %sort3A_197, %sort3A_198 = tpu.sort %min3A_194, %min3A_194 masked %sort3A_195 : (vector<16xf32>, vector<16xf32>, vector<16xi1>) -> (vector<16xi1>, vector<16xf32>, vector<16xf32>)
          %rev3A_199 = arith.constant 15 : i32
          %rev3A_200 = vector.broadcast %rev3A_199 : i32 to vector<16xi32>
          %rev3A_201 = tpu.iota {dimensions = array<i32: 0>} : vector<16xi32>
          %rev3A_202 = arith.subi %rev3A_200, %rev3A_201 : vector<16xi32>
          %rev3A_203 = tpu.dynamic_gather %sort3A_197[%rev3A_202] in [0] : vector<16xf32>, vector<16xi32> -> vector<16xf32>
          %max3A_204 = arith.maximumf %cond3A_148#0, %rev3A_203 : vector<16xf32>
          %sort3A_205 = arith.constant dense<true> : vector<16xi1>
          %sort3A_206, %sort3A_207, %sort3A_208 = tpu.sort %max3A_204, %max3A_204 masked %sort3A_205 : (vector<16xf32>, vector<16xf32>, vector<16xi1>) -> (vector<16xi1>, vector<16xf32>, vector<16xf32>)
          %reduce_min3A_209 = arith.constant true
          %reduce_min3A_210 = vector.broadcast %reduce_min3A_209 : i1 to vector<16xi1>
          %reduce_min3A_211 = tpu.scan <min>, %sort3A_207 masked %reduce_min3A_210 : vector<16xf32>, vector<16xi1> -> vector<16xf32>
          %reduce_min3A_212 = vector.extract %reduce_min3A_211[15] : f32 from vector<16xf32>
          %max3A_213 = arith.maximumf %reduce_min3A_28, %reduce_min3A_212 : f32
          scf.yield %sort3A_207, %sort3A_192, %sort3A_178, %max3A_213 : vector<16xf32>, vector<16xf32>, vector<16xf32>, f32
        } else {
          scf.yield %cond3A_148#0, %cond3A_148#1, %cond3A_148#2, %cond3A_148#3 : vector<16xf32>, vector<16xf32>, vector<16xf32>, f32
        }
        %reduce_max3A_158 = arith.constant true
        %reduce_max3A_159 = vector.broadcast %reduce_max3A_158 : i1 to vector<16xi1>
        %reduce_max3A_160 = tpu.scan <max>, %get3A_123 masked %reduce_max3A_159 : vector<16xf32>, vector<16xi1> -> vector<16xf32>
        %reduce_max3A_161 = vector.extract %reduce_max3A_160[15] : f32 from vector<16xf32>
        %ge3A_162 = arith.cmpf oge, %reduce_max3A_161, %cond3A_157#3 : f32
        %convert_element_type3A_163 = arith.extui %ge3A_162 : i1 to i32
        %cond3A_164 = arith.constant 0 : i32
        %cond3A_165 = arith.cmpi ne, %convert_element_type3A_163, %cond3A_164 : i32
        %cond3A_166:4 = scf.if %cond3A_165 -> (vector<16xf32>, vector<16xf32>, vector<16xf32>, f32) {
          %sort3A = arith.constant dense<true> : vector<16xi1>
          %sort3A_167, %sort3A_168, %sort3A_169 = tpu.sort %get3A_123, %get3A_123 masked %sort3A : (vector<16xf32>, vector<16xf32>, vector<16xi1>) -> (vector<16xi1>, vector<16xf32>, vector<16xf32>)
          %rev3A_170 = arith.constant 15 : i32
          %rev3A_171 = vector.broadcast %rev3A_170 : i32 to vector<16xi32>
          %rev3A_172 = tpu.iota {dimensions = array<i32: 0>} : vector<16xi32>
          %rev3A_173 = arith.subi %rev3A_171, %rev3A_172 : vector<16xi32>
          %rev3A_174 = tpu.dynamic_gather %sort3A_168[%rev3A_173] in [0] : vector<16xf32>, vector<16xi32> -> vector<16xf32>
          %max3A_175 = arith.maximumf %cond3A_157#2, %rev3A_174 : vector<16xf32>
          %sort3A_176 = arith.constant dense<true> : vector<16xi1>
          %sort3A_177, %sort3A_178, %sort3A_179 = tpu.sort %max3A_175, %max3A_175 masked %sort3A_176 : (vector<16xf32>, vector<16xf32>, vector<16xi1>) -> (vector<16xi1>, vector<16xf32>, vector<16xf32>)
          %min3A = arith.minimumf %cond3A_157#2, %rev3A_174 : vector<16xf32>
          %sort3A_180 = arith.constant dense<true> : vector<16xi1>
          %sort3A_181, %sort3A_182, %sort3A_183 = tpu.sort %min3A, %min3A masked %sort3A_180 : (vector<16xf32>, vector<16xf32>, vector<16xi1>) -> (vector<16xi1>, vector<16xf32>, vector<16xf32>)
          %rev3A_184 = arith.constant 15 : i32
          %rev3A_185 = vector.broadcast %rev3A_184 : i32 to vector<16xi32>
          %rev3A_186 = tpu.iota {dimensions = array<i32: 0>} : vector<16xi32>
          %rev3A_187 = arith.subi %rev3A_185, %rev3A_186 : vector<16xi32>
          %rev3A_188 = tpu.dynamic_gather %sort3A_182[%rev3A_187] in [0] : vector<16xf32>, vector<16xi32> -> vector<16xf32>
          %max3A_189 = arith.maximumf %cond3A_157#1, %rev3A_188 : vector<16xf32>
          %sort3A_190 = arith.constant dense<true> : vector<16xi1>
          %sort3A_191, %sort3A_192, %sort3A_193 = tpu.sort %max3A_189, %max3A_189 masked %sort3A_190 : (vector<16xf32>, vector<16xf32>, vector<16xi1>) -> (vector<16xi1>, vector<16xf32>, vector<16xf32>)
          %min3A_194 = arith.minimumf %cond3A_157#1, %rev3A_188 : vector<16xf32>
          %sort3A_195 = arith.constant dense<true> : vector<16xi1>
          %sort3A_196, %sort3A_197, %sort3A_198 = tpu.sort %min3A_194, %min3A_194 masked %sort3A_195 : (vector<16xf32>, vector<16xf32>, vector<16xi1>) -> (vector<16xi1>, vector<16xf32>, vector<16xf32>)
          %rev3A_199 = arith.constant 15 : i32
          %rev3A_200 = vector.broadcast %rev3A_199 : i32 to vector<16xi32>
          %rev3A_201 = tpu.iota {dimensions = array<i32: 0>} : vector<16xi32>
          %rev3A_202 = arith.subi %rev3A_200, %rev3A_201 : vector<16xi32>
          %rev3A_203 = tpu.dynamic_gather %sort3A_197[%rev3A_202] in [0] : vector<16xf32>, vector<16xi32> -> vector<16xf32>
          %max3A_204 = arith.maximumf %cond3A_157#0, %rev3A_203 : vector<16xf32>
          %sort3A_205 = arith.constant dense<true> : vector<16xi1>
          %sort3A_206, %sort3A_207, %sort3A_208 = tpu.sort %max3A_204, %max3A_204 masked %sort3A_205 : (vector<16xf32>, vector<16xf32>, vector<16xi1>) -> (vector<16xi1>, vector<16xf32>, vector<16xf32>)
          %reduce_min3A_209 = arith.constant true
          %reduce_min3A_210 = vector.broadcast %reduce_min3A_209 : i1 to vector<16xi1>
          %reduce_min3A_211 = tpu.scan <min>, %sort3A_207 masked %reduce_min3A_210 : vector<16xf32>, vector<16xi1> -> vector<16xf32>
          %reduce_min3A_212 = vector.extract %reduce_min3A_211[15] : f32 from vector<16xf32>
          %max3A_213 = arith.maximumf %reduce_min3A_28, %reduce_min3A_212 : f32
          scf.yield %sort3A_207, %sort3A_192, %sort3A_178, %max3A_213 : vector<16xf32>, vector<16xf32>, vector<16xf32>, f32
        } else {
          scf.yield %cond3A_157#0, %cond3A_157#1, %cond3A_157#2, %cond3A_157#3 : vector<16xf32>, vector<16xf32>, vector<16xf32>, f32
        }
        scf.yield %cond3A_166#0, %cond3A_166#1, %cond3A_166#2, %cond3A_166#3 : vector<16xf32>, vector<16xf32>, vector<16xf32>, f32
      } else {
        scf.yield %scan3A_88, %scan3A_89, %scan3A_90, %scan3A_91 : vector<16xf32>, vector<16xf32>, vector<16xf32>, f32
      }
      scf.yield %cond3A_130#0, %cond3A_130#1, %cond3A_130#2, %cond3A_130#3 : vector<16xf32>, vector<16xf32>, vector<16xf32>, f32
    }
    %scan3A_34 = arith.constant 167 : i32
    %rev3A = arith.constant 15 : i32
    %rev3A_35 = vector.broadcast %rev3A : i32 to vector<16xi32>
    %rev3A_36 = tpu.iota {dimensions = array<i32: 0>} : vector<16xi32>
    %rev3A_37 = arith.subi %rev3A_35, %rev3A_36 : vector<16xi32>
    %rev3A_38 = tpu.dynamic_gather %scan3A_33#2[%rev3A_37] in [0] : vector<16xf32>, vector<16xi32> -> vector<16xf32>
    %swap3A = arith.constant 0 : index
    %swap3A_39 = tpu.vector_load %arg9[%swap3A] {strides = array<i32>} : memref<112xf32, #tpu.memory_space<vmem>>, vector<16xf32>,
    tpu.vector_store %arg9[%swap3A], %rev3A_38 {strides = array<i32>} : memref<112xf32, #tpu.memory_space<vmem>>, vector<16xf32>,
    %rev3A_40 = arith.constant 15 : i32
    %rev3A_41 = vector.broadcast %rev3A_40 : i32 to vector<16xi32>
    %rev3A_42 = tpu.iota {dimensions = array<i32: 0>} : vector<16xi32>
    %rev3A_43 = arith.subi %rev3A_41, %rev3A_42 : vector<16xi32>
    %rev3A_44 = tpu.dynamic_gather %scan3A_33#1[%rev3A_43] in [0] : vector<16xf32>, vector<16xi32> -> vector<16xf32>
    %swap3A_45 = arith.constant 16 : index
    %swap3A_46 = tpu.vector_load %arg9[%swap3A_45] {strides = array<i32>} : memref<112xf32, #tpu.memory_space<vmem>>, vector<16xf32>,
    tpu.vector_store %arg9[%swap3A_45], %rev3A_44 {strides = array<i32>} : memref<112xf32, #tpu.memory_space<vmem>>, vector<16xf32>,
    %rev3A_47 = arith.constant 15 : i32
    %rev3A_48 = vector.broadcast %rev3A_47 : i32 to vector<16xi32>
    %rev3A_49 = tpu.iota {dimensions = array<i32: 0>} : vector<16xi32>
    %rev3A_50 = arith.subi %rev3A_48, %rev3A_49 : vector<16xi32>
    %rev3A_51 = tpu.dynamic_gather %scan3A_33#0[%rev3A_50] in [0] : vector<16xf32>, vector<16xi32> -> vector<16xf32>
    %swap3A_52 = arith.constant 32 : index
    %swap3A_53 = tpu.vector_load %arg9[%swap3A_52] {strides = array<i32>} : memref<112xf32, #tpu.memory_space<vmem>>, vector<16xf32>,
    tpu.vector_store %arg9[%swap3A_52], %rev3A_51 {strides = array<i32>} : memref<112xf32, #tpu.memory_space<vmem>>, vector<16xf32>,
    %swap3A_54 = arith.constant 48 : index
    %swap3A_55 = tpu.vector_load %arg9[%swap3A_54] {strides = array<i32>} : memref<112xf32, #tpu.memory_space<vmem>>, vector<16xf32>,
    tpu.vector_store %arg9[%swap3A_54], %gather3A {strides = array<i32>} : memref<112xf32, #tpu.memory_space<vmem>>, vector<16xf32>,
    %dma_wait3A_56 = tpu.memref_slice %arg3[%mul3A_7] : memref<1022464xf32, #tpu.memory_space<hbm>> -> memref<31952xf32, #tpu.memory_space<hbm>>
    %dma_wait3A_57 = tpu.memref_slice %arg3[%mul3A_7] : memref<1022464xf32, #tpu.memory_space<hbm>> -> memref<31952xf32, #tpu.memory_space<hbm>>
    tpu.wait_dma2 semaphore(%arg11 : memref<!tpu.dma_semaphore, #tpu.memory_space<semaphore_mem>>) src(%dma_wait3A_57 : memref<31952xf32, #tpu.memory_space<hbm>>) dst(%arg8 : memref<31952xf32, #tpu.memory_space<vmem>>)
    %mul3A_58 = arith.constant 3 : i32
    %mul3A_59 = vector.broadcast %mul3A_58 : i32 to vector<16xi32>
    %mul3A_60 = arith.muli %get3A_12, %mul3A_59 : vector<16xi32>
    %add3A_61 = arith.constant 0 : i32
    %add3A_62 = vector.broadcast %add3A_61 : i32 to vector<16xi32>
    %add3A_63 = arith.addi %mul3A_60, %add3A_62 : vector<16xi32>
    %gather3A_64 = tpu.vector_load_idx %arg8[%add3A_63] : memref<31952xf32, #tpu.memory_space<vmem>>[vector<16xi32>], vector<16xf32>,
    %swap3A_65 = arith.constant 64 : index
    %swap3A_66 = tpu.vector_load %arg9[%swap3A_65] {strides = array<i32>} : memref<112xf32, #tpu.memory_space<vmem>>, vector<16xf32>,
    tpu.vector_store %arg9[%swap3A_65], %gather3A_64 {strides = array<i32>} : memref<112xf32, #tpu.memory_space<vmem>>, vector<16xf32>,
    %mul3A_67 = arith.constant 3 : i32
    %mul3A_68 = vector.broadcast %mul3A_67 : i32 to vector<16xi32>
    %mul3A_69 = arith.muli %get3A_12, %mul3A_68 : vector<16xi32>
    %add3A_70 = arith.constant 1 : i32
    %add3A_71 = vector.broadcast %add3A_70 : i32 to vector<16xi32>
    %add3A_72 = arith.addi %mul3A_69, %add3A_71 : vector<16xi32>
    %gather3A_73 = tpu.vector_load_idx %arg8[%add3A_72] : memref<31952xf32, #tpu.memory_space<vmem>>[vector<16xi32>], vector<16xf32>,
    %swap3A_74 = arith.constant 80 : index
    %swap3A_75 = tpu.vector_load %arg9[%swap3A_74] {strides = array<i32>} : memref<112xf32, #tpu.memory_space<vmem>>, vector<16xf32>,
    tpu.vector_store %arg9[%swap3A_74], %gather3A_73 {strides = array<i32>} : memref<112xf32, #tpu.memory_space<vmem>>, vector<16xf32>,
    %mul3A_76 = arith.constant 3 : i32
    %mul3A_77 = vector.broadcast %mul3A_76 : i32 to vector<16xi32>
    %mul3A_78 = arith.muli %get3A_12, %mul3A_77 : vector<16xi32>
    %add3A_79 = arith.constant 2 : i32
    %add3A_80 = vector.broadcast %add3A_79 : i32 to vector<16xi32>
    %add3A_81 = arith.addi %mul3A_78, %add3A_80 : vector<16xi32>
    %gather3A_82 = tpu.vector_load_idx %arg8[%add3A_81] : memref<31952xf32, #tpu.memory_space<vmem>>[vector<16xi32>], vector<16xf32>,
    %swap3A_83 = arith.constant 96 : index
    %swap3A_84 = tpu.vector_load %arg9[%swap3A_83] {strides = array<i32>} : memref<112xf32, #tpu.memory_space<vmem>>, vector<16xf32>,
    tpu.vector_store %arg9[%swap3A_83], %gather3A_82 {strides = array<i32>} : memref<112xf32, #tpu.memory_space<vmem>>, vector<16xf32>,
    %mul3A_85 = arith.constant 112 : i32
    %mul3A_86 = arith.muli %add3A, %mul3A_85 : i32
    "tpu.region"() ({
      %run_scoped3A = tpu.sem_alloc : memref<!tpu.dma_semaphore, #tpu.memory_space<semaphore_mem>>
      %dma_start3A_87 = tpu.memref_slice %arg5[%mul3A_86] : memref<3584xf32, #tpu.memory_space<hbm>> -> memref<112xf32, #tpu.memory_space<hbm>>
      %dma_start3A_88 = tpu.memref_slice %arg5[%mul3A_86] : memref<3584xf32, #tpu.memory_space<hbm>> -> memref<112xf32, #tpu.memory_space<hbm>>
      tpu.enqueue_dma source(%arg9 : memref<112xf32, #tpu.memory_space<vmem>>) target(%dma_start3A_88 : memref<112xf32, #tpu.memory_space<hbm>>) target_semaphore(%run_scoped3A : memref<!tpu.dma_semaphore, #tpu.memory_space<semaphore_mem>>)
      %dma_wait3A_89 = tpu.memref_slice %arg5[%mul3A_86] : memref<3584xf32, #tpu.memory_space<hbm>> -> memref<112xf32, #tpu.memory_space<hbm>>
      %dma_wait3A_90 = tpu.memref_slice %arg5[%mul3A_86] : memref<3584xf32, #tpu.memory_space<hbm>> -> memref<112xf32, #tpu.memory_space<hbm>>
      tpu.wait_dma2 semaphore(%run_scoped3A : memref<!tpu.dma_semaphore, #tpu.memory_space<semaphore_mem>>) src(%arg9 : memref<112xf32, #tpu.memory_space<vmem>>) dst(%dma_wait3A_90 : memref<112xf32, #tpu.memory_space<hbm>>)
      tpu.yield
    }) : () -> ()
    return
  }
}

module attributes {stable_mosaic.version = 14 : i64} {
  func.func @_a_body(%arg0: memref<32x8xf32, #tpu.memory_space<vmem>>, %arg1: memref<32x8xf32, #tpu.memory_space<vmem>>, %arg2: memref<32x8xf32, #tpu.memory_space<vmem>>, %arg3: memref<32x8xf32, #tpu.memory_space<vmem>>, %arg4: memref<32x8xi32, #tpu.memory_space<vmem>>, %arg5: memref<32x128xf32, #tpu.memory_space<vmem>>, %arg6: memref<32x48xi32, #tpu.memory_space<vmem>>) attributes {dimension_semantics = [], scalar_prefetch = 0 : i64, scratch_operands = 0 : i64, tpu.core_type = #tpu.core_type<tc>} {
    %get3A = arith.constant 0 : index
    %get3A_0 = arith.constant 0 : index
    %get3A_1 = vector.load %arg0[%get3A, %get3A_0] : memref<32x8xf32, #tpu.memory_space<vmem>>, vector<32x8xf32>
    %get3A_2 = arith.constant 0 : index
    %get3A_3 = arith.constant 0 : index
    %get3A_4 = vector.load %arg1[%get3A_2, %get3A_3] : memref<32x8xf32, #tpu.memory_space<vmem>>, vector<32x8xf32>
    %get3A_5 = arith.constant 0 : index
    %get3A_6 = arith.constant 0 : index
    %get3A_7 = vector.load %arg2[%get3A_5, %get3A_6] : memref<32x8xf32, #tpu.memory_space<vmem>>, vector<32x8xf32>
    %get3A_8 = arith.constant 0 : index
    %get3A_9 = arith.constant 0 : index
    %get3A_10 = vector.load %arg3[%get3A_8, %get3A_9] : memref<32x8xf32, #tpu.memory_space<vmem>>, vector<32x8xf32>
    %get3A_11 = arith.constant 0 : index
    %get3A_12 = arith.constant 0 : index
    %get3A_13 = vector.load %arg4[%get3A_11, %get3A_12] : memref<32x8xi32, #tpu.memory_space<vmem>>, vector<32x8xi32>
    %add3A = arith.addf %get3A_1, %get3A_7 : vector<32x8xf32>
    %mul3A = arith.constant 5.000000e-01 : f32
    %mul3A_14 = vector.broadcast %mul3A : f32 to vector<32x8xf32>
    %mul3A_15 = arith.mulf %add3A, %mul3A_14 : vector<32x8xf32>
    %add3A_16 = arith.addf %get3A_4, %get3A_10 : vector<32x8xf32>
    %mul3A_17 = arith.constant 5.000000e-01 : f32
    %mul3A_18 = vector.broadcast %mul3A_17 : f32 to vector<32x8xf32>
    %mul3A_19 = arith.mulf %add3A_16, %mul3A_18 : vector<32x8xf32>
    %sub3A = arith.subf %get3A_7, %get3A_1 : vector<32x8xf32>
    %sub3A_20 = arith.subf %get3A_10, %get3A_4 : vector<32x8xf32>
    %broadcast_in_dim3A = arith.constant -1.000000e+00 : f32
    %broadcast_in_dim3A_21 = vector.broadcast %broadcast_in_dim3A : f32 to vector<32x8xf32>
    %broadcast_in_dim3A_22 = arith.constant 0 : i32
    %broadcast_in_dim3A_23 = vector.broadcast %broadcast_in_dim3A_22 : i32 to vector<32x8xi32>
    %min3A = arith.constant 2.000000e-02 : f32
    %min3A_24 = vector.broadcast %min3A : f32 to vector<32x8xf32>
    %min3A_25 = arith.minimumf %sub3A, %min3A_24 : vector<32x8xf32>
    %min3A_26 = arith.constant 3.000000e-02 : f32
    %min3A_27 = vector.broadcast %min3A_26 : f32 to vector<32x8xf32>
    %min3A_28 = arith.minimumf %sub3A_20, %min3A_27 : vector<32x8xf32>
    %mul3A_29 = arith.mulf %min3A_25, %min3A_28 : vector<32x8xf32>
    %mul3A_30 = arith.mulf %sub3A, %sub3A_20 : vector<32x8xf32>
    %add3A_31 = arith.constant 6.000000e-04 : f32
    %add3A_32 = vector.broadcast %add3A_31 : f32 to vector<32x8xf32>
    %add3A_33 = arith.addf %mul3A_30, %add3A_32 : vector<32x8xf32>
    %sub3A_34 = arith.subf %add3A_33, %mul3A_29 : vector<32x8xf32>
    %add3A_35 = arith.constant 9.99999971E-10 : f32
    %add3A_36 = vector.broadcast %add3A_35 : f32 to vector<32x8xf32>
    %add3A_37 = arith.addf %sub3A_34, %add3A_36 : vector<32x8xf32>
    %div3A = arith.divf %mul3A_29, %add3A_37 : vector<32x8xf32>
    %gt3A = arith.cmpf ogt, %div3A, %broadcast_in_dim3A_21 : vector<32x8xf32>
    %select_n3A = arith.select %gt3A, %div3A, %broadcast_in_dim3A_21 : vector<32x8xi1>, vector<32x8xf32>
    %jit3A = arith.constant 0 : i32
    %broadcast_in_dim3A_38 = vector.broadcast %jit3A : i32 to vector<32x8xi32>
    %select_n3A_39 = arith.select %gt3A, %broadcast_in_dim3A_38, %broadcast_in_dim3A_23 : vector<32x8xi1>, vector<32x8xi32>
    %min3A_40 = arith.constant 4.000000e-02 : f32
    %min3A_41 = vector.broadcast %min3A_40 : f32 to vector<32x8xf32>
    %min3A_42 = arith.minimumf %sub3A, %min3A_41 : vector<32x8xf32>
    %min3A_43 = arith.constant 7.000000e-02 : f32
    %min3A_44 = vector.broadcast %min3A_43 : f32 to vector<32x8xf32>
    %min3A_45 = arith.minimumf %sub3A_20, %min3A_44 : vector<32x8xf32>
    %mul3A_46 = arith.mulf %min3A_42, %min3A_45 : vector<32x8xf32>
    %mul3A_47 = arith.mulf %sub3A, %sub3A_20 : vector<32x8xf32>
    %add3A_48 = arith.constant 2.800000e-03 : f32
    %add3A_49 = vector.broadcast %add3A_48 : f32 to vector<32x8xf32>
    %add3A_50 = arith.addf %mul3A_47, %add3A_49 : vector<32x8xf32>
    %sub3A_51 = arith.subf %add3A_50, %mul3A_46 : vector<32x8xf32>
    %add3A_52 = arith.constant 9.99999971E-10 : f32
    %add3A_53 = vector.broadcast %add3A_52 : f32 to vector<32x8xf32>
    %add3A_54 = arith.addf %sub3A_51, %add3A_53 : vector<32x8xf32>
    %div3A_55 = arith.divf %mul3A_46, %add3A_54 : vector<32x8xf32>
    %gt3A_56 = arith.cmpf ogt, %div3A_55, %select_n3A : vector<32x8xf32>
    %select_n3A_57 = arith.select %gt3A_56, %div3A_55, %select_n3A : vector<32x8xi1>, vector<32x8xf32>
    %jit3A_58 = arith.constant 1 : i32
    %broadcast_in_dim3A_59 = vector.broadcast %jit3A_58 : i32 to vector<32x8xi32>
    %select_n3A_60 = arith.select %gt3A_56, %broadcast_in_dim3A_59, %select_n3A_39 : vector<32x8xi1>, vector<32x8xi32>
    %min3A_61 = arith.constant 8.000000e-02 : f32
    %min3A_62 = vector.broadcast %min3A_61 : f32 to vector<32x8xf32>
    %min3A_63 = arith.minimumf %sub3A, %min3A_62 : vector<32x8xf32>
    %min3A_64 = arith.constant 6.000000e-02 : f32
    %min3A_65 = vector.broadcast %min3A_64 : f32 to vector<32x8xf32>
    %min3A_66 = arith.minimumf %sub3A_20, %min3A_65 : vector<32x8xf32>
    %mul3A_67 = arith.mulf %min3A_63, %min3A_66 : vector<32x8xf32>
    %mul3A_68 = arith.mulf %sub3A, %sub3A_20 : vector<32x8xf32>
    %add3A_69 = arith.constant 4.800000e-03 : f32
    %add3A_70 = vector.broadcast %add3A_69 : f32 to vector<32x8xf32>
    %add3A_71 = arith.addf %mul3A_68, %add3A_70 : vector<32x8xf32>
    %sub3A_72 = arith.subf %add3A_71, %mul3A_67 : vector<32x8xf32>
    %add3A_73 = arith.constant 9.99999971E-10 : f32
    %add3A_74 = vector.broadcast %add3A_73 : f32 to vector<32x8xf32>
    %add3A_75 = arith.addf %sub3A_72, %add3A_74 : vector<32x8xf32>
    %div3A_76 = arith.divf %mul3A_67, %add3A_75 : vector<32x8xf32>
    %gt3A_77 = arith.cmpf ogt, %div3A_76, %select_n3A_57 : vector<32x8xf32>
    %select_n3A_78 = arith.select %gt3A_77, %div3A_76, %select_n3A_57 : vector<32x8xi1>, vector<32x8xf32>
    %jit3A_79 = arith.constant 2 : i32
    %broadcast_in_dim3A_80 = vector.broadcast %jit3A_79 : i32 to vector<32x8xi32>
    %select_n3A_81 = arith.select %gt3A_77, %broadcast_in_dim3A_80, %select_n3A_60 : vector<32x8xi1>, vector<32x8xi32>
    %min3A_82 = arith.constant 7.000000e-02 : f32
    %min3A_83 = vector.broadcast %min3A_82 : f32 to vector<32x8xf32>
    %min3A_84 = arith.minimumf %sub3A, %min3A_83 : vector<32x8xf32>
    %min3A_85 = arith.constant 1.500000e-01 : f32
    %min3A_86 = vector.broadcast %min3A_85 : f32 to vector<32x8xf32>
    %min3A_87 = arith.minimumf %sub3A_20, %min3A_86 : vector<32x8xf32>
    %mul3A_88 = arith.mulf %min3A_84, %min3A_87 : vector<32x8xf32>
    %mul3A_89 = arith.mulf %sub3A, %sub3A_20 : vector<32x8xf32>
    %add3A_90 = arith.constant 1.050000e-02 : f32
    %add3A_91 = vector.broadcast %add3A_90 : f32 to vector<32x8xf32>
    %add3A_92 = arith.addf %mul3A_89, %add3A_91 : vector<32x8xf32>
    %sub3A_93 = arith.subf %add3A_92, %mul3A_88 : vector<32x8xf32>
    %add3A_94 = arith.constant 9.99999971E-10 : f32
    %add3A_95 = vector.broadcast %add3A_94 : f32 to vector<32x8xf32>
    %add3A_96 = arith.addf %sub3A_93, %add3A_95 : vector<32x8xf32>
    %div3A_97 = arith.divf %mul3A_88, %add3A_96 : vector<32x8xf32>
    %gt3A_98 = arith.cmpf ogt, %div3A_97, %select_n3A_78 : vector<32x8xf32>
    %select_n3A_99 = arith.select %gt3A_98, %div3A_97, %select_n3A_78 : vector<32x8xi1>, vector<32x8xf32>
    %jit3A_100 = arith.constant 3 : i32
    %broadcast_in_dim3A_101 = vector.broadcast %jit3A_100 : i32 to vector<32x8xi32>
    %select_n3A_102 = arith.select %gt3A_98, %broadcast_in_dim3A_101, %select_n3A_81 : vector<32x8xi1>, vector<32x8xi32>
    %min3A_103 = arith.constant 1.500000e-01 : f32
    %min3A_104 = vector.broadcast %min3A_103 : f32 to vector<32x8xf32>
    %min3A_105 = arith.minimumf %sub3A, %min3A_104 : vector<32x8xf32>
    %min3A_106 = arith.constant 1.100000e-01 : f32
    %min3A_107 = vector.broadcast %min3A_106 : f32 to vector<32x8xf32>
    %min3A_108 = arith.minimumf %sub3A_20, %min3A_107 : vector<32x8xf32>
    %mul3A_109 = arith.mulf %min3A_105, %min3A_108 : vector<32x8xf32>
    %mul3A_110 = arith.mulf %sub3A, %sub3A_20 : vector<32x8xf32>
    %add3A_111 = arith.constant 1.650000e-02 : f32
    %add3A_112 = vector.broadcast %add3A_111 : f32 to vector<32x8xf32>
    %add3A_113 = arith.addf %mul3A_110, %add3A_112 : vector<32x8xf32>
    %sub3A_114 = arith.subf %add3A_113, %mul3A_109 : vector<32x8xf32>
    %add3A_115 = arith.constant 9.99999971E-10 : f32
    %add3A_116 = vector.broadcast %add3A_115 : f32 to vector<32x8xf32>
    %add3A_117 = arith.addf %sub3A_114, %add3A_116 : vector<32x8xf32>
    %div3A_118 = arith.divf %mul3A_109, %add3A_117 : vector<32x8xf32>
    %gt3A_119 = arith.cmpf ogt, %div3A_118, %select_n3A_99 : vector<32x8xf32>
    %select_n3A_120 = arith.select %gt3A_119, %div3A_118, %select_n3A_99 : vector<32x8xi1>, vector<32x8xf32>
    %jit3A_121 = arith.constant 4 : i32
    %broadcast_in_dim3A_122 = vector.broadcast %jit3A_121 : i32 to vector<32x8xi32>
    %select_n3A_123 = arith.select %gt3A_119, %broadcast_in_dim3A_122, %select_n3A_102 : vector<32x8xi1>, vector<32x8xi32>
    %min3A_124 = arith.constant 1.400000e-01 : f32
    %min3A_125 = vector.broadcast %min3A_124 : f32 to vector<32x8xf32>
    %min3A_126 = arith.minimumf %sub3A, %min3A_125 : vector<32x8xf32>
    %min3A_127 = arith.constant 2.900000e-01 : f32
    %min3A_128 = vector.broadcast %min3A_127 : f32 to vector<32x8xf32>
    %min3A_129 = arith.minimumf %sub3A_20, %min3A_128 : vector<32x8xf32>
    %mul3A_130 = arith.mulf %min3A_126, %min3A_129 : vector<32x8xf32>
    %mul3A_131 = arith.mulf %sub3A, %sub3A_20 : vector<32x8xf32>
    %add3A_132 = arith.constant 4.060000e-02 : f32
    %add3A_133 = vector.broadcast %add3A_132 : f32 to vector<32x8xf32>
    %add3A_134 = arith.addf %mul3A_131, %add3A_133 : vector<32x8xf32>
    %sub3A_135 = arith.subf %add3A_134, %mul3A_130 : vector<32x8xf32>
    %add3A_136 = arith.constant 9.99999971E-10 : f32
    %add3A_137 = vector.broadcast %add3A_136 : f32 to vector<32x8xf32>
    %add3A_138 = arith.addf %sub3A_135, %add3A_137 : vector<32x8xf32>
    %div3A_139 = arith.divf %mul3A_130, %add3A_138 : vector<32x8xf32>
    %gt3A_140 = arith.cmpf ogt, %div3A_139, %select_n3A_120 : vector<32x8xf32>
    %select_n3A_141 = arith.select %gt3A_140, %div3A_139, %select_n3A_120 : vector<32x8xi1>, vector<32x8xf32>
    %jit3A_142 = arith.constant 5 : i32
    %broadcast_in_dim3A_143 = vector.broadcast %jit3A_142 : i32 to vector<32x8xi32>
    %select_n3A_144 = arith.select %gt3A_140, %broadcast_in_dim3A_143, %select_n3A_123 : vector<32x8xi1>, vector<32x8xi32>
    %min3A_145 = arith.constant 2.800000e-01 : f32
    %min3A_146 = vector.broadcast %min3A_145 : f32 to vector<32x8xf32>
    %min3A_147 = arith.minimumf %sub3A, %min3A_146 : vector<32x8xf32>
    %min3A_148 = arith.constant 2.200000e-01 : f32
    %min3A_149 = vector.broadcast %min3A_148 : f32 to vector<32x8xf32>
    %min3A_150 = arith.minimumf %sub3A_20, %min3A_149 : vector<32x8xf32>
    %mul3A_151 = arith.mulf %min3A_147, %min3A_150 : vector<32x8xf32>
    %mul3A_152 = arith.mulf %sub3A, %sub3A_20 : vector<32x8xf32>
    %add3A_153 = arith.constant 0.0615999996 : f32
    %add3A_154 = vector.broadcast %add3A_153 : f32 to vector<32x8xf32>
    %add3A_155 = arith.addf %mul3A_152, %add3A_154 : vector<32x8xf32>
    %sub3A_156 = arith.subf %add3A_155, %mul3A_151 : vector<32x8xf32>
    %add3A_157 = arith.constant 9.99999971E-10 : f32
    %add3A_158 = vector.broadcast %add3A_157 : f32 to vector<32x8xf32>
    %add3A_159 = arith.addf %sub3A_156, %add3A_158 : vector<32x8xf32>
    %div3A_160 = arith.divf %mul3A_151, %add3A_159 : vector<32x8xf32>
    %gt3A_161 = arith.cmpf ogt, %div3A_160, %select_n3A_141 : vector<32x8xf32>
    %select_n3A_162 = arith.select %gt3A_161, %div3A_160, %select_n3A_141 : vector<32x8xi1>, vector<32x8xf32>
    %jit3A_163 = arith.constant 6 : i32
    %broadcast_in_dim3A_164 = vector.broadcast %jit3A_163 : i32 to vector<32x8xi32>
    %select_n3A_165 = arith.select %gt3A_161, %broadcast_in_dim3A_164, %select_n3A_144 : vector<32x8xi1>, vector<32x8xi32>
    %min3A_166 = arith.constant 3.800000e-01 : f32
    %min3A_167 = vector.broadcast %min3A_166 : f32 to vector<32x8xf32>
    %min3A_168 = arith.minimumf %sub3A, %min3A_167 : vector<32x8xf32>
    %min3A_169 = arith.constant 4.800000e-01 : f32
    %min3A_170 = vector.broadcast %min3A_169 : f32 to vector<32x8xf32>
    %min3A_171 = arith.minimumf %sub3A_20, %min3A_170 : vector<32x8xf32>
    %mul3A_172 = arith.mulf %min3A_168, %min3A_171 : vector<32x8xf32>
    %mul3A_173 = arith.mulf %sub3A, %sub3A_20 : vector<32x8xf32>
    %add3A_174 = arith.constant 1.824000e-01 : f32
    %add3A_175 = vector.broadcast %add3A_174 : f32 to vector<32x8xf32>
    %add3A_176 = arith.addf %mul3A_173, %add3A_175 : vector<32x8xf32>
    %sub3A_177 = arith.subf %add3A_176, %mul3A_172 : vector<32x8xf32>
    %add3A_178 = arith.constant 9.99999971E-10 : f32
    %add3A_179 = vector.broadcast %add3A_178 : f32 to vector<32x8xf32>
    %add3A_180 = arith.addf %sub3A_177, %add3A_179 : vector<32x8xf32>
    %div3A_181 = arith.divf %mul3A_172, %add3A_180 : vector<32x8xf32>
    %gt3A_182 = arith.cmpf ogt, %div3A_181, %select_n3A_162 : vector<32x8xf32>
    %select_n3A_183 = arith.select %gt3A_182, %div3A_181, %select_n3A_162 : vector<32x8xi1>, vector<32x8xf32>
    %jit3A_184 = arith.constant 7 : i32
    %broadcast_in_dim3A_185 = vector.broadcast %jit3A_184 : i32 to vector<32x8xi32>
    %select_n3A_186 = arith.select %gt3A_182, %broadcast_in_dim3A_185, %select_n3A_165 : vector<32x8xi1>, vector<32x8xi32>
    %min3A_187 = arith.constant 0.899999976 : f32
    %min3A_188 = vector.broadcast %min3A_187 : f32 to vector<32x8xf32>
    %min3A_189 = arith.minimumf %sub3A, %min3A_188 : vector<32x8xf32>
    %min3A_190 = arith.constant 7.800000e-01 : f32
    %min3A_191 = vector.broadcast %min3A_190 : f32 to vector<32x8xf32>
    %min3A_192 = arith.minimumf %sub3A_20, %min3A_191 : vector<32x8xf32>
    %mul3A_193 = arith.mulf %min3A_189, %min3A_192 : vector<32x8xf32>
    %mul3A_194 = arith.mulf %sub3A, %sub3A_20 : vector<32x8xf32>
    %add3A_195 = arith.constant 7.020000e-01 : f32
    %add3A_196 = vector.broadcast %add3A_195 : f32 to vector<32x8xf32>
    %add3A_197 = arith.addf %mul3A_194, %add3A_196 : vector<32x8xf32>
    %sub3A_198 = arith.subf %add3A_197, %mul3A_193 : vector<32x8xf32>
    %add3A_199 = arith.constant 9.99999971E-10 : f32
    %add3A_200 = vector.broadcast %add3A_199 : f32 to vector<32x8xf32>
    %add3A_201 = arith.addf %sub3A_198, %add3A_200 : vector<32x8xf32>
    %div3A_202 = arith.divf %mul3A_193, %add3A_201 : vector<32x8xf32>
    %gt3A_203 = arith.cmpf ogt, %div3A_202, %select_n3A_183 : vector<32x8xf32>
    %jit3A_204 = arith.constant 8 : i32
    %broadcast_in_dim3A_205 = vector.broadcast %jit3A_204 : i32 to vector<32x8xi32>
    %select_n3A_206 = arith.select %gt3A_203, %broadcast_in_dim3A_205, %select_n3A_186 : vector<32x8xi1>, vector<32x8xi32>
    %jit3A_207 = arith.constant 3 : i32
    %div3A_208 = vector.broadcast %jit3A_207 : i32 to vector<32x8xi32>
    %div3A_209 = arith.divsi %select_n3A_206, %div3A_208 : vector<32x8xi32>
    %sign3A = arith.constant 0 : i32
    %sign3A_210 = vector.broadcast %sign3A : i32 to vector<32x8xi32>
    %sign3A_211 = arith.cmpi sgt, %select_n3A_206, %sign3A_210 : vector<32x8xi32>
    %sign3A_212 = arith.extui %sign3A_211 : vector<32x8xi1> to vector<32x8xi32>
    %sign3A_213 = arith.constant 0 : i32
    %sign3A_214 = vector.broadcast %sign3A_213 : i32 to vector<32x8xi32>
    %sign3A_215 = arith.cmpi slt, %select_n3A_206, %sign3A_214 : vector<32x8xi32>
    %sign3A_216 = arith.extui %sign3A_215 : vector<32x8xi1> to vector<32x8xi32>
    %sign3A_217 = arith.subi %sign3A_212, %sign3A_216 : vector<32x8xi32>
    %sign3A_218 = arith.constant 0 : i32
    %sign3A_219 = arith.cmpi sgt, %jit3A_207, %sign3A_218 : i32
    %sign3A_220 = arith.extui %sign3A_219 : i1 to i32
    %sign3A_221 = arith.constant 0 : i32
    %sign3A_222 = arith.cmpi slt, %jit3A_207, %sign3A_221 : i32
    %sign3A_223 = arith.extui %sign3A_222 : i1 to i32
    %sign3A_224 = arith.subi %sign3A_220, %sign3A_223 : i32
    %ne3A = vector.broadcast %sign3A_224 : i32 to vector<32x8xi32>
    %ne3A_225 = arith.cmpi ne, %sign3A_217, %ne3A : vector<32x8xi32>
    %rem3A = vector.broadcast %jit3A_207 : i32 to vector<32x8xi32>
    %rem3A_226 = arith.remsi %select_n3A_206, %rem3A : vector<32x8xi32>
    %ne3A_227 = arith.constant 0 : i32
    %ne3A_228 = vector.broadcast %ne3A_227 : i32 to vector<32x8xi32>
    %ne3A_229 = arith.cmpi ne, %rem3A_226, %ne3A_228 : vector<32x8xi32>
    %and3A = arith.andi %ne3A_225, %ne3A_229 : vector<32x8xi1>
    %sub3A_230 = arith.constant 1 : i32
    %sub3A_231 = vector.broadcast %sub3A_230 : i32 to vector<32x8xi32>
    %sub3A_232 = arith.subi %div3A_209, %sub3A_231 : vector<32x8xi32>
    %select_n3A_233 = arith.select %and3A, %sub3A_232, %div3A_209 : vector<32x8xi1>, vector<32x8xi32>
    %eq3A = arith.constant 0 : i32
    %eq3A_234 = vector.broadcast %eq3A : i32 to vector<32x8xi32>
    %eq3A_235 = arith.cmpi eq, %select_n3A_233, %eq3A_234 : vector<32x8xi32>
    %eq3A_236 = arith.constant 1 : i32
    %eq3A_237 = vector.broadcast %eq3A_236 : i32 to vector<32x8xi32>
    %eq3A_238 = arith.cmpi eq, %select_n3A_233, %eq3A_237 : vector<32x8xi32>
    %jit3A_239 = arith.constant 26 : i32
    %jit3A_240 = arith.constant 13 : i32
    %broadcast_in_dim3A_241 = vector.broadcast %jit3A_239 : i32 to vector<32x8xi32>
    %broadcast_in_dim3A_242 = vector.broadcast %jit3A_240 : i32 to vector<32x8xi32>
    %select_n3A_243 = arith.select %eq3A_238, %broadcast_in_dim3A_241, %broadcast_in_dim3A_242 : vector<32x8xi1>, vector<32x8xi32>
    %jit3A_244 = arith.constant 52 : i32
    %broadcast_in_dim3A_245 = vector.broadcast %jit3A_244 : i32 to vector<32x8xi32>
    %select_n3A_246 = arith.select %eq3A_235, %broadcast_in_dim3A_245, %select_n3A_243 : vector<32x8xi1>, vector<32x8xi32>
    %eq3A_247 = arith.constant 0 : i32
    %eq3A_248 = vector.broadcast %eq3A_247 : i32 to vector<32x8xi32>
    %eq3A_249 = arith.cmpi eq, %select_n3A_233, %eq3A_248 : vector<32x8xi32>
    %eq3A_250 = arith.constant 1 : i32
    %eq3A_251 = vector.broadcast %eq3A_250 : i32 to vector<32x8xi32>
    %eq3A_252 = arith.cmpi eq, %select_n3A_233, %eq3A_251 : vector<32x8xi32>
    %jit3A_253 = arith.constant 8112 : i32
    %jit3A_254 = arith.constant 10140 : i32
    %broadcast_in_dim3A_255 = vector.broadcast %jit3A_253 : i32 to vector<32x8xi32>
    %broadcast_in_dim3A_256 = vector.broadcast %jit3A_254 : i32 to vector<32x8xi32>
    %select_n3A_257 = arith.select %eq3A_252, %broadcast_in_dim3A_255, %broadcast_in_dim3A_256 : vector<32x8xi1>, vector<32x8xi32>
    %jit3A_258 = arith.constant 0 : i32
    %broadcast_in_dim3A_259 = vector.broadcast %jit3A_258 : i32 to vector<32x8xi32>
    %select_n3A_260 = arith.select %eq3A_249, %broadcast_in_dim3A_259, %select_n3A_257 : vector<32x8xi1>, vector<32x8xi32>
    %convert_element_type3A = arith.sitofp %select_n3A_246 : vector<32x8xi32> to vector<32x8xf32>
    %mul3A_261 = arith.mulf %mul3A_15, %convert_element_type3A : vector<32x8xf32>
    %floor3A = math.floor %mul3A_261 : vector<32x8xf32>
    %convert_element_type3A_262 = arith.fptosi %floor3A : vector<32x8xf32> to vector<32x8xi32>
    %mul3A_263 = arith.mulf %mul3A_19, %convert_element_type3A : vector<32x8xf32>
    %floor3A_264 = math.floor %mul3A_263 : vector<32x8xf32>
    %convert_element_type3A_265 = arith.fptosi %floor3A_264 : vector<32x8xf32> to vector<32x8xi32>
    %mul3A_266 = arith.muli %convert_element_type3A_265, %select_n3A_246 : vector<32x8xi32>
    %add3A_267 = arith.addi %mul3A_266, %convert_element_type3A_262 : vector<32x8xi32>
    %mul3A_268 = arith.constant 3 : i32
    %mul3A_269 = vector.broadcast %mul3A_268 : i32 to vector<32x8xi32>
    %mul3A_270 = arith.muli %add3A_267, %mul3A_269 : vector<32x8xi32>
    %add3A_271 = arith.addi %select_n3A_260, %mul3A_270 : vector<32x8xi32>
    %mul3A_272 = arith.constant 3 : i32
    %mul3A_273 = vector.broadcast %mul3A_272 : i32 to vector<32x8xi32>
    %mul3A_274 = arith.muli %select_n3A_233, %mul3A_273 : vector<32x8xi32>
    %sub3A_275 = arith.subi %select_n3A_206, %mul3A_274 : vector<32x8xi32>
    %add3A_276 = arith.addi %add3A_271, %sub3A_275 : vector<32x8xi32>
    %add3A_277 = arith.constant 128 : i32
    %add3A_278 = vector.broadcast %add3A_277 : i32 to vector<32x8xi32>
    %add3A_279 = arith.addi %add3A_276, %add3A_278 : vector<32x8xi32>
    %slice3A = vector.extract_strided_slice %add3A_271 {offsets = [0, 0], sizes = [32, 1], strides = [1, 1]} : vector<32x8xi32> to vector<32x1xi32>
    %slice3A_280 = vector.extract_strided_slice %add3A_276 {offsets = [0, 0], sizes = [32, 1], strides = [1, 1]} : vector<32x8xi32> to vector<32x1xi32>
    %slice3A_281 = vector.extract_strided_slice %add3A_279 {offsets = [0, 0], sizes = [32, 1], strides = [1, 1]} : vector<32x8xi32> to vector<32x1xi32>
    %slice3A_282 = vector.extract_strided_slice %add3A_271 {offsets = [0, 1], sizes = [32, 7], strides = [1, 1]} : vector<32x8xi32> to vector<32x7xi32>
    %slice3A_283 = vector.extract_strided_slice %add3A_276 {offsets = [0, 1], sizes = [32, 7], strides = [1, 1]} : vector<32x8xi32> to vector<32x7xi32>
    %slice3A_284 = vector.extract_strided_slice %add3A_279 {offsets = [0, 1], sizes = [32, 7], strides = [1, 1]} : vector<32x8xi32> to vector<32x7xi32>
    %eq3A_285 = vector.broadcast %slice3A : vector<32x1xi32> to vector<32x7xi32>
    %eq3A_286 = arith.cmpi eq, %slice3A_282, %eq3A_285 : vector<32x7xi32>
    %eq3A_287 = vector.broadcast %slice3A_280 : vector<32x1xi32> to vector<32x7xi32>
    %eq3A_288 = arith.cmpi eq, %slice3A_284, %eq3A_287 : vector<32x7xi32>
    %or3A = arith.ori %eq3A_286, %eq3A_288 : vector<32x7xi1>
    %ge3A = vector.broadcast %slice3A_281 : vector<32x1xi32> to vector<32x7xi32>
    %ge3A_289 = arith.cmpi sge, %ge3A, %slice3A_282 : vector<32x7xi32>
    %add3A_290 = arith.constant 2 : i32
    %add3A_291 = vector.broadcast %add3A_290 : i32 to vector<32x7xi32>
    %add3A_292 = arith.addi %slice3A_282, %add3A_291 : vector<32x7xi32>
    %le3A = vector.broadcast %slice3A_281 : vector<32x1xi32> to vector<32x7xi32>
    %le3A_293 = arith.cmpi sle, %le3A, %add3A_292 : vector<32x7xi32>
    %and3A_294 = arith.andi %ge3A_289, %le3A_293 : vector<32x7xi1>
    %eq3A_295 = vector.broadcast %slice3A_281 : vector<32x1xi32> to vector<32x7xi32>
    %eq3A_296 = arith.cmpi eq, %slice3A_283, %eq3A_295 : vector<32x7xi32>
    %or3A_297 = arith.ori %and3A_294, %eq3A_296 : vector<32x7xi1>
    %eq3A_298 = vector.broadcast %slice3A_280 : vector<32x1xi32> to vector<32x7xi32>
    %eq3A_299 = arith.cmpi eq, %slice3A_283, %eq3A_298 : vector<32x7xi32>
    %or3A_300 = arith.ori %or3A_297, %eq3A_299 : vector<32x7xi1>
    %convert_element_type3A_301 = arith.extui %or3A : vector<32x7xi1> to vector<32x7xi32>
    %convert_element_type3A_302 = arith.sitofp %convert_element_type3A_301 : vector<32x7xi32> to vector<32x7xf32>
    %reduce_max3A = arith.constant dense<0xFF800000> : vector<32xf32>
    %reduce_max3A_303 = vector.multi_reduction <maximumf>, %convert_element_type3A_302, %reduce_max3A [1] : vector<32x7xf32> to vector<32xf32>
    %broadcast_in_dim3A_304 = vector.shape_cast %reduce_max3A_303 : vector<32xf32> to vector<32x1xf32>
    %convert_element_type3A_305 = arith.extui %or3A_300 : vector<32x7xi1> to vector<32x7xi32>
    %convert_element_type3A_306 = arith.sitofp %convert_element_type3A_305 : vector<32x7xi32> to vector<32x7xf32>
    %reduce_max3A_307 = arith.constant dense<0xFF800000> : vector<32xf32>
    %reduce_max3A_308 = vector.multi_reduction <maximumf>, %convert_element_type3A_306, %reduce_max3A_307 [1] : vector<32x7xf32> to vector<32xf32>
    %broadcast_in_dim3A_309 = vector.shape_cast %reduce_max3A_308 : vector<32xf32> to vector<32x1xf32>
    %slice3A_310 = vector.extract_strided_slice %add3A_271 {offsets = [0, 1], sizes = [32, 1], strides = [1, 1]} : vector<32x8xi32> to vector<32x1xi32>
    %slice3A_311 = vector.extract_strided_slice %add3A_276 {offsets = [0, 1], sizes = [32, 1], strides = [1, 1]} : vector<32x8xi32> to vector<32x1xi32>
    %slice3A_312 = vector.extract_strided_slice %add3A_279 {offsets = [0, 1], sizes = [32, 1], strides = [1, 1]} : vector<32x8xi32> to vector<32x1xi32>
    %slice3A_313 = vector.extract_strided_slice %add3A_271 {offsets = [0, 2], sizes = [32, 6], strides = [1, 1]} : vector<32x8xi32> to vector<32x6xi32>
    %slice3A_314 = vector.extract_strided_slice %add3A_276 {offsets = [0, 2], sizes = [32, 6], strides = [1, 1]} : vector<32x8xi32> to vector<32x6xi32>
    %slice3A_315 = vector.extract_strided_slice %add3A_279 {offsets = [0, 2], sizes = [32, 6], strides = [1, 1]} : vector<32x8xi32> to vector<32x6xi32>
    %eq3A_316 = vector.broadcast %slice3A_310 : vector<32x1xi32> to vector<32x6xi32>
    %eq3A_317 = arith.cmpi eq, %slice3A_313, %eq3A_316 : vector<32x6xi32>
    %eq3A_318 = vector.broadcast %slice3A_311 : vector<32x1xi32> to vector<32x6xi32>
    %eq3A_319 = arith.cmpi eq, %slice3A_315, %eq3A_318 : vector<32x6xi32>
    %or3A_320 = arith.ori %eq3A_317, %eq3A_319 : vector<32x6xi1>
    %ge3A_321 = vector.broadcast %slice3A_312 : vector<32x1xi32> to vector<32x6xi32>
    %ge3A_322 = arith.cmpi sge, %ge3A_321, %slice3A_313 : vector<32x6xi32>
    %add3A_323 = arith.constant 2 : i32
    %add3A_324 = vector.broadcast %add3A_323 : i32 to vector<32x6xi32>
    %add3A_325 = arith.addi %slice3A_313, %add3A_324 : vector<32x6xi32>
    %le3A_326 = vector.broadcast %slice3A_312 : vector<32x1xi32> to vector<32x6xi32>
    %le3A_327 = arith.cmpi sle, %le3A_326, %add3A_325 : vector<32x6xi32>
    %and3A_328 = arith.andi %ge3A_322, %le3A_327 : vector<32x6xi1>
    %eq3A_329 = vector.broadcast %slice3A_312 : vector<32x1xi32> to vector<32x6xi32>
    %eq3A_330 = arith.cmpi eq, %slice3A_314, %eq3A_329 : vector<32x6xi32>
    %or3A_331 = arith.ori %and3A_328, %eq3A_330 : vector<32x6xi1>
    %eq3A_332 = vector.broadcast %slice3A_311 : vector<32x1xi32> to vector<32x6xi32>
    %eq3A_333 = arith.cmpi eq, %slice3A_314, %eq3A_332 : vector<32x6xi32>
    %or3A_334 = arith.ori %or3A_331, %eq3A_333 : vector<32x6xi1>
    %convert_element_type3A_335 = arith.extui %or3A_320 : vector<32x6xi1> to vector<32x6xi32>
    %convert_element_type3A_336 = arith.sitofp %convert_element_type3A_335 : vector<32x6xi32> to vector<32x6xf32>
    %reduce_max3A_337 = arith.constant dense<0xFF800000> : vector<32xf32>
    %reduce_max3A_338 = vector.multi_reduction <maximumf>, %convert_element_type3A_336, %reduce_max3A_337 [1] : vector<32x6xf32> to vector<32xf32>
    %broadcast_in_dim3A_339 = vector.shape_cast %reduce_max3A_338 : vector<32xf32> to vector<32x1xf32>
    %convert_element_type3A_340 = arith.extui %or3A_334 : vector<32x6xi1> to vector<32x6xi32>
    %convert_element_type3A_341 = arith.sitofp %convert_element_type3A_340 : vector<32x6xi32> to vector<32x6xf32>
    %reduce_max3A_342 = arith.constant dense<0xFF800000> : vector<32xf32>
    %reduce_max3A_343 = vector.multi_reduction <maximumf>, %convert_element_type3A_341, %reduce_max3A_342 [1] : vector<32x6xf32> to vector<32xf32>
    %broadcast_in_dim3A_344 = vector.shape_cast %reduce_max3A_343 : vector<32xf32> to vector<32x1xf32>
    %slice3A_345 = vector.extract_strided_slice %add3A_271 {offsets = [0, 2], sizes = [32, 1], strides = [1, 1]} : vector<32x8xi32> to vector<32x1xi32>
    %slice3A_346 = vector.extract_strided_slice %add3A_276 {offsets = [0, 2], sizes = [32, 1], strides = [1, 1]} : vector<32x8xi32> to vector<32x1xi32>
    %slice3A_347 = vector.extract_strided_slice %add3A_279 {offsets = [0, 2], sizes = [32, 1], strides = [1, 1]} : vector<32x8xi32> to vector<32x1xi32>
    %slice3A_348 = vector.extract_strided_slice %add3A_271 {offsets = [0, 3], sizes = [32, 5], strides = [1, 1]} : vector<32x8xi32> to vector<32x5xi32>
    %slice3A_349 = vector.extract_strided_slice %add3A_276 {offsets = [0, 3], sizes = [32, 5], strides = [1, 1]} : vector<32x8xi32> to vector<32x5xi32>
    %slice3A_350 = vector.extract_strided_slice %add3A_279 {offsets = [0, 3], sizes = [32, 5], strides = [1, 1]} : vector<32x8xi32> to vector<32x5xi32>
    %eq3A_351 = vector.broadcast %slice3A_345 : vector<32x1xi32> to vector<32x5xi32>
    %eq3A_352 = arith.cmpi eq, %slice3A_348, %eq3A_351 : vector<32x5xi32>
    %eq3A_353 = vector.broadcast %slice3A_346 : vector<32x1xi32> to vector<32x5xi32>
    %eq3A_354 = arith.cmpi eq, %slice3A_350, %eq3A_353 : vector<32x5xi32>
    %or3A_355 = arith.ori %eq3A_352, %eq3A_354 : vector<32x5xi1>
    %ge3A_356 = vector.broadcast %slice3A_347 : vector<32x1xi32> to vector<32x5xi32>
    %ge3A_357 = arith.cmpi sge, %ge3A_356, %slice3A_348 : vector<32x5xi32>
    %add3A_358 = arith.constant 2 : i32
    %add3A_359 = vector.broadcast %add3A_358 : i32 to vector<32x5xi32>
    %add3A_360 = arith.addi %slice3A_348, %add3A_359 : vector<32x5xi32>
    %le3A_361 = vector.broadcast %slice3A_347 : vector<32x1xi32> to vector<32x5xi32>
    %le3A_362 = arith.cmpi sle, %le3A_361, %add3A_360 : vector<32x5xi32>
    %and3A_363 = arith.andi %ge3A_357, %le3A_362 : vector<32x5xi1>
    %eq3A_364 = vector.broadcast %slice3A_347 : vector<32x1xi32> to vector<32x5xi32>
    %eq3A_365 = arith.cmpi eq, %slice3A_349, %eq3A_364 : vector<32x5xi32>
    %or3A_366 = arith.ori %and3A_363, %eq3A_365 : vector<32x5xi1>
    %eq3A_367 = vector.broadcast %slice3A_346 : vector<32x1xi32> to vector<32x5xi32>
    %eq3A_368 = arith.cmpi eq, %slice3A_349, %eq3A_367 : vector<32x5xi32>
    %or3A_369 = arith.ori %or3A_366, %eq3A_368 : vector<32x5xi1>
    %convert_element_type3A_370 = arith.extui %or3A_355 : vector<32x5xi1> to vector<32x5xi32>
    %convert_element_type3A_371 = arith.sitofp %convert_element_type3A_370 : vector<32x5xi32> to vector<32x5xf32>
    %reduce_max3A_372 = arith.constant dense<0xFF800000> : vector<32xf32>
    %reduce_max3A_373 = vector.multi_reduction <maximumf>, %convert_element_type3A_371, %reduce_max3A_372 [1] : vector<32x5xf32> to vector<32xf32>
    %broadcast_in_dim3A_374 = vector.shape_cast %reduce_max3A_373 : vector<32xf32> to vector<32x1xf32>
    %convert_element_type3A_375 = arith.extui %or3A_369 : vector<32x5xi1> to vector<32x5xi32>
    %convert_element_type3A_376 = arith.sitofp %convert_element_type3A_375 : vector<32x5xi32> to vector<32x5xf32>
    %reduce_max3A_377 = arith.constant dense<0xFF800000> : vector<32xf32>
    %reduce_max3A_378 = vector.multi_reduction <maximumf>, %convert_element_type3A_376, %reduce_max3A_377 [1] : vector<32x5xf32> to vector<32xf32>
    %broadcast_in_dim3A_379 = vector.shape_cast %reduce_max3A_378 : vector<32xf32> to vector<32x1xf32>
    %slice3A_380 = vector.extract_strided_slice %add3A_271 {offsets = [0, 3], sizes = [32, 1], strides = [1, 1]} : vector<32x8xi32> to vector<32x1xi32>
    %slice3A_381 = vector.extract_strided_slice %add3A_276 {offsets = [0, 3], sizes = [32, 1], strides = [1, 1]} : vector<32x8xi32> to vector<32x1xi32>
    %slice3A_382 = vector.extract_strided_slice %add3A_279 {offsets = [0, 3], sizes = [32, 1], strides = [1, 1]} : vector<32x8xi32> to vector<32x1xi32>
    %slice3A_383 = vector.extract_strided_slice %add3A_271 {offsets = [0, 4], sizes = [32, 4], strides = [1, 1]} : vector<32x8xi32> to vector<32x4xi32>
    %slice3A_384 = vector.extract_strided_slice %add3A_276 {offsets = [0, 4], sizes = [32, 4], strides = [1, 1]} : vector<32x8xi32> to vector<32x4xi32>
    %slice3A_385 = vector.extract_strided_slice %add3A_279 {offsets = [0, 4], sizes = [32, 4], strides = [1, 1]} : vector<32x8xi32> to vector<32x4xi32>
    %eq3A_386 = vector.broadcast %slice3A_380 : vector<32x1xi32> to vector<32x4xi32>
    %eq3A_387 = arith.cmpi eq, %slice3A_383, %eq3A_386 : vector<32x4xi32>
    %eq3A_388 = vector.broadcast %slice3A_381 : vector<32x1xi32> to vector<32x4xi32>
    %eq3A_389 = arith.cmpi eq, %slice3A_385, %eq3A_388 : vector<32x4xi32>
    %or3A_390 = arith.ori %eq3A_387, %eq3A_389 : vector<32x4xi1>
    %ge3A_391 = vector.broadcast %slice3A_382 : vector<32x1xi32> to vector<32x4xi32>
    %ge3A_392 = arith.cmpi sge, %ge3A_391, %slice3A_383 : vector<32x4xi32>
    %add3A_393 = arith.constant 2 : i32
    %add3A_394 = vector.broadcast %add3A_393 : i32 to vector<32x4xi32>
    %add3A_395 = arith.addi %slice3A_383, %add3A_394 : vector<32x4xi32>
    %le3A_396 = vector.broadcast %slice3A_382 : vector<32x1xi32> to vector<32x4xi32>
    %le3A_397 = arith.cmpi sle, %le3A_396, %add3A_395 : vector<32x4xi32>
    %and3A_398 = arith.andi %ge3A_392, %le3A_397 : vector<32x4xi1>
    %eq3A_399 = vector.broadcast %slice3A_382 : vector<32x1xi32> to vector<32x4xi32>
    %eq3A_400 = arith.cmpi eq, %slice3A_384, %eq3A_399 : vector<32x4xi32>
    %or3A_401 = arith.ori %and3A_398, %eq3A_400 : vector<32x4xi1>
    %eq3A_402 = vector.broadcast %slice3A_381 : vector<32x1xi32> to vector<32x4xi32>
    %eq3A_403 = arith.cmpi eq, %slice3A_384, %eq3A_402 : vector<32x4xi32>
    %or3A_404 = arith.ori %or3A_401, %eq3A_403 : vector<32x4xi1>
    %convert_element_type3A_405 = arith.extui %or3A_390 : vector<32x4xi1> to vector<32x4xi32>
    %convert_element_type3A_406 = arith.sitofp %convert_element_type3A_405 : vector<32x4xi32> to vector<32x4xf32>
    %reduce_max3A_407 = arith.constant dense<0xFF800000> : vector<32xf32>
    %reduce_max3A_408 = vector.multi_reduction <maximumf>, %convert_element_type3A_406, %reduce_max3A_407 [1] : vector<32x4xf32> to vector<32xf32>
    %broadcast_in_dim3A_409 = vector.shape_cast %reduce_max3A_408 : vector<32xf32> to vector<32x1xf32>
    %convert_element_type3A_410 = arith.extui %or3A_404 : vector<32x4xi1> to vector<32x4xi32>
    %convert_element_type3A_411 = arith.sitofp %convert_element_type3A_410 : vector<32x4xi32> to vector<32x4xf32>
    %reduce_max3A_412 = arith.constant dense<0xFF800000> : vector<32xf32>
    %reduce_max3A_413 = vector.multi_reduction <maximumf>, %convert_element_type3A_411, %reduce_max3A_412 [1] : vector<32x4xf32> to vector<32xf32>
    %broadcast_in_dim3A_414 = vector.shape_cast %reduce_max3A_413 : vector<32xf32> to vector<32x1xf32>
    %slice3A_415 = vector.extract_strided_slice %add3A_271 {offsets = [0, 4], sizes = [32, 1], strides = [1, 1]} : vector<32x8xi32> to vector<32x1xi32>
    %slice3A_416 = vector.extract_strided_slice %add3A_276 {offsets = [0, 4], sizes = [32, 1], strides = [1, 1]} : vector<32x8xi32> to vector<32x1xi32>
    %slice3A_417 = vector.extract_strided_slice %add3A_279 {offsets = [0, 4], sizes = [32, 1], strides = [1, 1]} : vector<32x8xi32> to vector<32x1xi32>
    %slice3A_418 = vector.extract_strided_slice %add3A_271 {offsets = [0, 5], sizes = [32, 3], strides = [1, 1]} : vector<32x8xi32> to vector<32x3xi32>
    %slice3A_419 = vector.extract_strided_slice %add3A_276 {offsets = [0, 5], sizes = [32, 3], strides = [1, 1]} : vector<32x8xi32> to vector<32x3xi32>
    %slice3A_420 = vector.extract_strided_slice %add3A_279 {offsets = [0, 5], sizes = [32, 3], strides = [1, 1]} : vector<32x8xi32> to vector<32x3xi32>
    %eq3A_421 = vector.broadcast %slice3A_415 : vector<32x1xi32> to vector<32x3xi32>
    %eq3A_422 = arith.cmpi eq, %slice3A_418, %eq3A_421 : vector<32x3xi32>
    %eq3A_423 = vector.broadcast %slice3A_416 : vector<32x1xi32> to vector<32x3xi32>
    %eq3A_424 = arith.cmpi eq, %slice3A_420, %eq3A_423 : vector<32x3xi32>
    %or3A_425 = arith.ori %eq3A_422, %eq3A_424 : vector<32x3xi1>
    %ge3A_426 = vector.broadcast %slice3A_417 : vector<32x1xi32> to vector<32x3xi32>
    %ge3A_427 = arith.cmpi sge, %ge3A_426, %slice3A_418 : vector<32x3xi32>
    %add3A_428 = arith.constant 2 : i32
    %add3A_429 = vector.broadcast %add3A_428 : i32 to vector<32x3xi32>
    %add3A_430 = arith.addi %slice3A_418, %add3A_429 : vector<32x3xi32>
    %le3A_431 = vector.broadcast %slice3A_417 : vector<32x1xi32> to vector<32x3xi32>
    %le3A_432 = arith.cmpi sle, %le3A_431, %add3A_430 : vector<32x3xi32>
    %and3A_433 = arith.andi %ge3A_427, %le3A_432 : vector<32x3xi1>
    %eq3A_434 = vector.broadcast %slice3A_417 : vector<32x1xi32> to vector<32x3xi32>
    %eq3A_435 = arith.cmpi eq, %slice3A_419, %eq3A_434 : vector<32x3xi32>
    %or3A_436 = arith.ori %and3A_433, %eq3A_435 : vector<32x3xi1>
    %eq3A_437 = vector.broadcast %slice3A_416 : vector<32x1xi32> to vector<32x3xi32>
    %eq3A_438 = arith.cmpi eq, %slice3A_419, %eq3A_437 : vector<32x3xi32>
    %or3A_439 = arith.ori %or3A_436, %eq3A_438 : vector<32x3xi1>
    %convert_element_type3A_440 = arith.extui %or3A_425 : vector<32x3xi1> to vector<32x3xi32>
    %convert_element_type3A_441 = arith.sitofp %convert_element_type3A_440 : vector<32x3xi32> to vector<32x3xf32>
    %reduce_max3A_442 = arith.constant dense<0xFF800000> : vector<32xf32>
    %reduce_max3A_443 = vector.multi_reduction <maximumf>, %convert_element_type3A_441, %reduce_max3A_442 [1] : vector<32x3xf32> to vector<32xf32>
    %broadcast_in_dim3A_444 = vector.shape_cast %reduce_max3A_443 : vector<32xf32> to vector<32x1xf32>
    %convert_element_type3A_445 = arith.extui %or3A_439 : vector<32x3xi1> to vector<32x3xi32>
    %convert_element_type3A_446 = arith.sitofp %convert_element_type3A_445 : vector<32x3xi32> to vector<32x3xf32>
    %reduce_max3A_447 = arith.constant dense<0xFF800000> : vector<32xf32>
    %reduce_max3A_448 = vector.multi_reduction <maximumf>, %convert_element_type3A_446, %reduce_max3A_447 [1] : vector<32x3xf32> to vector<32xf32>
    %broadcast_in_dim3A_449 = vector.shape_cast %reduce_max3A_448 : vector<32xf32> to vector<32x1xf32>
    %slice3A_450 = vector.extract_strided_slice %add3A_271 {offsets = [0, 5], sizes = [32, 1], strides = [1, 1]} : vector<32x8xi32> to vector<32x1xi32>
    %slice3A_451 = vector.extract_strided_slice %add3A_276 {offsets = [0, 5], sizes = [32, 1], strides = [1, 1]} : vector<32x8xi32> to vector<32x1xi32>
    %slice3A_452 = vector.extract_strided_slice %add3A_279 {offsets = [0, 5], sizes = [32, 1], strides = [1, 1]} : vector<32x8xi32> to vector<32x1xi32>
    %slice3A_453 = vector.extract_strided_slice %add3A_271 {offsets = [0, 6], sizes = [32, 2], strides = [1, 1]} : vector<32x8xi32> to vector<32x2xi32>
    %slice3A_454 = vector.extract_strided_slice %add3A_276 {offsets = [0, 6], sizes = [32, 2], strides = [1, 1]} : vector<32x8xi32> to vector<32x2xi32>
    %slice3A_455 = vector.extract_strided_slice %add3A_279 {offsets = [0, 6], sizes = [32, 2], strides = [1, 1]} : vector<32x8xi32> to vector<32x2xi32>
    %eq3A_456 = vector.broadcast %slice3A_450 : vector<32x1xi32> to vector<32x2xi32>
    %eq3A_457 = arith.cmpi eq, %slice3A_453, %eq3A_456 : vector<32x2xi32>
    %eq3A_458 = vector.broadcast %slice3A_451 : vector<32x1xi32> to vector<32x2xi32>
    %eq3A_459 = arith.cmpi eq, %slice3A_455, %eq3A_458 : vector<32x2xi32>
    %or3A_460 = arith.ori %eq3A_457, %eq3A_459 : vector<32x2xi1>
    %ge3A_461 = vector.broadcast %slice3A_452 : vector<32x1xi32> to vector<32x2xi32>
    %ge3A_462 = arith.cmpi sge, %ge3A_461, %slice3A_453 : vector<32x2xi32>
    %add3A_463 = arith.constant 2 : i32
    %add3A_464 = vector.broadcast %add3A_463 : i32 to vector<32x2xi32>
    %add3A_465 = arith.addi %slice3A_453, %add3A_464 : vector<32x2xi32>
    %le3A_466 = vector.broadcast %slice3A_452 : vector<32x1xi32> to vector<32x2xi32>
    %le3A_467 = arith.cmpi sle, %le3A_466, %add3A_465 : vector<32x2xi32>
    %and3A_468 = arith.andi %ge3A_462, %le3A_467 : vector<32x2xi1>
    %eq3A_469 = vector.broadcast %slice3A_452 : vector<32x1xi32> to vector<32x2xi32>
    %eq3A_470 = arith.cmpi eq, %slice3A_454, %eq3A_469 : vector<32x2xi32>
    %or3A_471 = arith.ori %and3A_468, %eq3A_470 : vector<32x2xi1>
    %eq3A_472 = vector.broadcast %slice3A_451 : vector<32x1xi32> to vector<32x2xi32>
    %eq3A_473 = arith.cmpi eq, %slice3A_454, %eq3A_472 : vector<32x2xi32>
    %or3A_474 = arith.ori %or3A_471, %eq3A_473 : vector<32x2xi1>
    %convert_element_type3A_475 = arith.extui %or3A_460 : vector<32x2xi1> to vector<32x2xi32>
    %convert_element_type3A_476 = arith.sitofp %convert_element_type3A_475 : vector<32x2xi32> to vector<32x2xf32>
    %reduce_max3A_477 = arith.constant dense<0xFF800000> : vector<32xf32>
    %reduce_max3A_478 = vector.multi_reduction <maximumf>, %convert_element_type3A_476, %reduce_max3A_477 [1] : vector<32x2xf32> to vector<32xf32>
    %broadcast_in_dim3A_479 = vector.shape_cast %reduce_max3A_478 : vector<32xf32> to vector<32x1xf32>
    %convert_element_type3A_480 = arith.extui %or3A_474 : vector<32x2xi1> to vector<32x2xi32>
    %convert_element_type3A_481 = arith.sitofp %convert_element_type3A_480 : vector<32x2xi32> to vector<32x2xf32>
    %reduce_max3A_482 = arith.constant dense<0xFF800000> : vector<32xf32>
    %reduce_max3A_483 = vector.multi_reduction <maximumf>, %convert_element_type3A_481, %reduce_max3A_482 [1] : vector<32x2xf32> to vector<32xf32>
    %broadcast_in_dim3A_484 = vector.shape_cast %reduce_max3A_483 : vector<32xf32> to vector<32x1xf32>
    %slice3A_485 = vector.extract_strided_slice %add3A_271 {offsets = [0, 6], sizes = [32, 1], strides = [1, 1]} : vector<32x8xi32> to vector<32x1xi32>
    %slice3A_486 = vector.extract_strided_slice %add3A_276 {offsets = [0, 6], sizes = [32, 1], strides = [1, 1]} : vector<32x8xi32> to vector<32x1xi32>
    %slice3A_487 = vector.extract_strided_slice %add3A_279 {offsets = [0, 6], sizes = [32, 1], strides = [1, 1]} : vector<32x8xi32> to vector<32x1xi32>
    %slice3A_488 = vector.extract_strided_slice %add3A_271 {offsets = [0, 7], sizes = [32, 1], strides = [1, 1]} : vector<32x8xi32> to vector<32x1xi32>
    %slice3A_489 = vector.extract_strided_slice %add3A_276 {offsets = [0, 7], sizes = [32, 1], strides = [1, 1]} : vector<32x8xi32> to vector<32x1xi32>
    %slice3A_490 = vector.extract_strided_slice %add3A_279 {offsets = [0, 7], sizes = [32, 1], strides = [1, 1]} : vector<32x8xi32> to vector<32x1xi32>
    %eq3A_491 = arith.cmpi eq, %slice3A_488, %slice3A_485 : vector<32x1xi32>
    %eq3A_492 = arith.cmpi eq, %slice3A_490, %slice3A_486 : vector<32x1xi32>
    %or3A_493 = arith.ori %eq3A_491, %eq3A_492 : vector<32x1xi1>
    %ge3A_494 = arith.cmpi sge, %slice3A_487, %slice3A_488 : vector<32x1xi32>
    %add3A_495 = arith.constant 2 : i32
    %add3A_496 = vector.broadcast %add3A_495 : i32 to vector<32x1xi32>
    %add3A_497 = arith.addi %slice3A_488, %add3A_496 : vector<32x1xi32>
    %le3A_498 = arith.cmpi sle, %slice3A_487, %add3A_497 : vector<32x1xi32>
    %and3A_499 = arith.andi %ge3A_494, %le3A_498 : vector<32x1xi1>
    %eq3A_500 = arith.cmpi eq, %slice3A_489, %slice3A_487 : vector<32x1xi32>
    %or3A_501 = arith.ori %and3A_499, %eq3A_500 : vector<32x1xi1>
    %eq3A_502 = arith.cmpi eq, %slice3A_489, %slice3A_486 : vector<32x1xi32>
    %or3A_503 = arith.ori %or3A_501, %eq3A_502 : vector<32x1xi1>
    %convert_element_type3A_504 = arith.extui %or3A_493 : vector<32x1xi1> to vector<32x1xi32>
    %convert_element_type3A_505 = arith.sitofp %convert_element_type3A_504 : vector<32x1xi32> to vector<32x1xf32>
    %reduce_max3A_506 = arith.constant dense<0xFF800000> : vector<32xf32>
    %reduce_max3A_507 = vector.multi_reduction <maximumf>, %convert_element_type3A_505, %reduce_max3A_506 [1] : vector<32x1xf32> to vector<32xf32>
    %broadcast_in_dim3A_508 = vector.shape_cast %reduce_max3A_507 : vector<32xf32> to vector<32x1xf32>
    %convert_element_type3A_509 = arith.extui %or3A_503 : vector<32x1xi1> to vector<32x1xi32>
    %convert_element_type3A_510 = arith.sitofp %convert_element_type3A_509 : vector<32x1xi32> to vector<32x1xf32>
    %reduce_max3A_511 = arith.constant dense<0xFF800000> : vector<32xf32>
    %reduce_max3A_512 = vector.multi_reduction <maximumf>, %convert_element_type3A_510, %reduce_max3A_511 [1] : vector<32x1xf32> to vector<32xf32>
    %broadcast_in_dim3A_513 = vector.shape_cast %reduce_max3A_512 : vector<32xf32> to vector<32x1xf32>
    %broadcast_in_dim3A_514 = arith.constant 0.000000e+00 : f32
    %broadcast_in_dim3A_515 = vector.broadcast %broadcast_in_dim3A_514 : f32 to vector<32x1xf32>
    %broadcast_in_dim3A_516 = arith.constant 0.000000e+00 : f32
    %broadcast_in_dim3A_517 = vector.broadcast %broadcast_in_dim3A_516 : f32 to vector<32x1xf32>
    %concatenate3A = tpu.concatenate %broadcast_in_dim3A_304, %broadcast_in_dim3A_339, %broadcast_in_dim3A_374, %broadcast_in_dim3A_409, %broadcast_in_dim3A_444, %broadcast_in_dim3A_479, %broadcast_in_dim3A_508, %broadcast_in_dim3A_515 in 1 : vector<32x1xf32>, vector<32x1xf32>, vector<32x1xf32>, vector<32x1xf32>, vector<32x1xf32>, vector<32x1xf32>, vector<32x1xf32>, vector<32x1xf32> -> vector<32x8xf32>
    %sub3A_518 = arith.constant 1.000000e+00 : f32
    %sub3A_519 = vector.broadcast %sub3A_518 : f32 to vector<32x8xf32>
    %sub3A_520 = arith.subf %sub3A_519, %concatenate3A : vector<32x8xf32>
    %lt3A = arith.constant 10647 : i32
    %lt3A_521 = vector.broadcast %lt3A : i32 to vector<32x8xi32>
    %lt3A_522 = arith.cmpi slt, %add3A_279, %lt3A_521 : vector<32x8xi32>
    %convert_element_type3A_523 = arith.extui %lt3A_522 : vector<32x8xi1> to vector<32x8xi32>
    %convert_element_type3A_524 = arith.sitofp %convert_element_type3A_523 : vector<32x8xi32> to vector<32x8xf32>
    %concatenate3A_525 = tpu.concatenate %broadcast_in_dim3A_309, %broadcast_in_dim3A_344, %broadcast_in_dim3A_379, %broadcast_in_dim3A_414, %broadcast_in_dim3A_449, %broadcast_in_dim3A_484, %broadcast_in_dim3A_513, %broadcast_in_dim3A_517 in 1 : vector<32x1xf32>, vector<32x1xf32>, vector<32x1xf32>, vector<32x1xf32>, vector<32x1xf32>, vector<32x1xf32>, vector<32x1xf32>, vector<32x1xf32> -> vector<32x8xf32>
    %sub3A_526 = arith.constant 1.000000e+00 : f32
    %sub3A_527 = vector.broadcast %sub3A_526 : f32 to vector<32x8xf32>
    %sub3A_528 = arith.subf %sub3A_527, %concatenate3A_525 : vector<32x8xf32>
    %mul3A_529 = arith.mulf %convert_element_type3A_524, %sub3A_528 : vector<32x8xf32>
    %reduce_sum3A = arith.constant dense<0.000000e+00> : vector<32xf32>
    %reduce_sum3A_530 = vector.multi_reduction <add>, %sub3A_520, %reduce_sum3A [1] : vector<32x8xf32> to vector<32xf32>
    %broadcast_in_dim3A_531 = vector.shape_cast %reduce_sum3A_530 : vector<32xf32> to vector<32x1xf32>
    %reduce_sum3A_532 = arith.constant dense<0.000000e+00> : vector<32xf32>
    %reduce_sum3A_533 = vector.multi_reduction <add>, %mul3A_529, %reduce_sum3A_532 [1] : vector<32x8xf32> to vector<32xf32>
    %broadcast_in_dim3A_534 = vector.shape_cast %reduce_sum3A_533 : vector<32xf32> to vector<32x1xf32>
    %add3A_535 = arith.addf %broadcast_in_dim3A_531, %broadcast_in_dim3A_534 : vector<32x1xf32>
    %mul3A_536 = arith.mulf %sub3A, %sub3A_20 : vector<32x8xf32>
    %sub3A_537 = arith.constant 2.000000e+00 : f32
    %sub3A_538 = vector.broadcast %sub3A_537 : f32 to vector<32x8xf32>
    %sub3A_539 = arith.subf %sub3A_538, %mul3A_536 : vector<32x8xf32>
    %sub3A_540 = arith.constant 1 : i32
    %sub3A_541 = vector.broadcast %sub3A_540 : i32 to vector<32x8xi32>
    %sub3A_542 = arith.subi %get3A_13, %sub3A_541 : vector<32x8xi32>
    %eq3A_543 = arith.constant 0 : i32
    %eq3A_544 = vector.broadcast %eq3A_543 : i32 to vector<32x8xi32>
    %eq3A_545 = arith.cmpi eq, %sub3A_542, %eq3A_544 : vector<32x8xi32>
    %convert_element_type3A_546 = arith.extui %eq3A_545 : vector<32x8xi1> to vector<32x8xi32>
    %convert_element_type3A_547 = arith.sitofp %convert_element_type3A_546 : vector<32x8xi32> to vector<32x8xf32>
    %sub3A_548 = arith.constant 1 : i32
    %sub3A_549 = vector.broadcast %sub3A_548 : i32 to vector<32x8xi32>
    %sub3A_550 = arith.subi %get3A_13, %sub3A_549 : vector<32x8xi32>
    %eq3A_551 = arith.constant 1 : i32
    %eq3A_552 = vector.broadcast %eq3A_551 : i32 to vector<32x8xi32>
    %eq3A_553 = arith.cmpi eq, %sub3A_550, %eq3A_552 : vector<32x8xi32>
    %convert_element_type3A_554 = arith.extui %eq3A_553 : vector<32x8xi1> to vector<32x8xi32>
    %convert_element_type3A_555 = arith.sitofp %convert_element_type3A_554 : vector<32x8xi32> to vector<32x8xf32>
    %sub3A_556 = arith.constant 1 : i32
    %sub3A_557 = vector.broadcast %sub3A_556 : i32 to vector<32x8xi32>
    %sub3A_558 = arith.subi %get3A_13, %sub3A_557 : vector<32x8xi32>
    %eq3A_559 = arith.constant 2 : i32
    %eq3A_560 = vector.broadcast %eq3A_559 : i32 to vector<32x8xi32>
    %eq3A_561 = arith.cmpi eq, %sub3A_558, %eq3A_560 : vector<32x8xi32>
    %convert_element_type3A_562 = arith.extui %eq3A_561 : vector<32x8xi1> to vector<32x8xi32>
    %convert_element_type3A_563 = arith.sitofp %convert_element_type3A_562 : vector<32x8xi32> to vector<32x8xf32>
    %broadcast_in_dim3A_564 = arith.constant 1.000000e+00 : f32
    %broadcast_in_dim3A_565 = vector.broadcast %broadcast_in_dim3A_564 : f32 to vector<32x8xf32>
    %mul3A_566 = vector.broadcast %add3A_535 : vector<32x1xf32> to vector<32x8xf32>
    %mul3A_567 = arith.mulf %mul3A_566, %broadcast_in_dim3A_565 : vector<32x8xf32>
    %broadcast_in_dim3A_568 = arith.constant 0.000000e+00 : f32
    %broadcast_in_dim3A_569 = vector.broadcast %broadcast_in_dim3A_568 : f32 to vector<32x48xf32>
    %concatenate3A_570 = tpu.concatenate %sub3A_520, %mul3A_529, %sub3A_539, %convert_element_type3A_547, %convert_element_type3A_555, %convert_element_type3A_563, %get3A_1, %get3A_4, %get3A_7, %mul3A_567, %broadcast_in_dim3A_569 in 1 : vector<32x8xf32>, vector<32x8xf32>, vector<32x8xf32>, vector<32x8xf32>, vector<32x8xf32>, vector<32x8xf32>, vector<32x8xf32>, vector<32x8xf32>, vector<32x8xf32>, vector<32x8xf32>, vector<32x48xf32> -> vector<32x128xf32>
    %swap3A = arith.constant 0 : index
    %swap3A_571 = arith.constant 0 : index
    %swap3A_572 = vector.load %arg5[%swap3A, %swap3A_571] : memref<32x128xf32, #tpu.memory_space<vmem>>, vector<32x128xf32>
    tpu.vector_store %arg5[%swap3A, %swap3A_571], %concatenate3A_570 {strides = array<i32>} : memref<32x128xf32, #tpu.memory_space<vmem>>, vector<32x128xf32>,
    %lt3A_573 = arith.constant 10647 : i32
    %lt3A_574 = vector.broadcast %lt3A_573 : i32 to vector<32x8xi32>
    %lt3A_575 = arith.cmpi slt, %add3A_279, %lt3A_574 : vector<32x8xi32>
    %jit3A_576 = arith.constant 0 : i32
    %broadcast_in_dim3A_577 = vector.broadcast %jit3A_576 : i32 to vector<32x8xi32>
    %select_n3A_578 = arith.select %lt3A_575, %add3A_279, %broadcast_in_dim3A_577 : vector<32x8xi1>, vector<32x8xi32>
    %add3A_579 = arith.constant 1 : i32
    %add3A_580 = vector.broadcast %add3A_579 : i32 to vector<32x8xi32>
    %add3A_581 = arith.addi %add3A_271, %add3A_580 : vector<32x8xi32>
    %add3A_582 = arith.constant 2 : i32
    %add3A_583 = vector.broadcast %add3A_582 : i32 to vector<32x8xi32>
    %add3A_584 = arith.addi %add3A_271, %add3A_583 : vector<32x8xi32>
    %concatenate3A_585 = tpu.concatenate %add3A_271, %add3A_581, %add3A_584, %select_n3A_578, %add3A_276, %select_n3A_578 in 1 : vector<32x8xi32>, vector<32x8xi32>, vector<32x8xi32>, vector<32x8xi32>, vector<32x8xi32>, vector<32x8xi32> -> vector<32x48xi32>
    %swap3A_586 = arith.constant 0 : index
    %swap3A_587 = arith.constant 0 : index
    %swap3A_588 = vector.load %arg6[%swap3A_586, %swap3A_587] : memref<32x48xi32, #tpu.memory_space<vmem>>, vector<32x48xi32>
    tpu.vector_store %arg6[%swap3A_586, %swap3A_587], %concatenate3A_585 {strides = array<i32>} : memref<32x48xi32, #tpu.memory_space<vmem>>, vector<32x48xi32>,
    return
  }
}

module attributes {stable_mosaic.version = 14 : i64} {
  func.func @_c_body(%arg0: memref<32x128xf32, #tpu.memory_space<vmem>>, %arg1: memref<32x112xf32, #tpu.memory_space<vmem>>, %arg2: memref<1x1xf32, #tpu.memory_space<vmem>>) attributes {dimension_semantics = [], scalar_prefetch = 0 : i64, scratch_operands = 0 : i64, tpu.core_type = #tpu.core_type<tc>} {
    %get3A = arith.constant 0 : index
    %get3A_0 = arith.constant 0 : index
    %get3A_1 = vector.load %arg0[%get3A, %get3A_0] : memref<32x128xf32, #tpu.memory_space<vmem>>, vector<32x128xf32>
    %get3A_2 = arith.constant 0 : index
    %get3A_3 = arith.constant 0 : index
    %get3A_4 = vector.load %arg1[%get3A_2, %get3A_3] : memref<32x112xf32, #tpu.memory_space<vmem>>, vector<32x112xf32>
    %slice3A = vector.extract_strided_slice %get3A_1 {offsets = [0, 0], sizes = [32, 8], strides = [1, 1]} : vector<32x128xf32> to vector<32x8xf32>
    %slice3A_5 = vector.extract_strided_slice %get3A_1 {offsets = [0, 8], sizes = [32, 8], strides = [1, 1]} : vector<32x128xf32> to vector<32x8xf32>
    %slice3A_6 = vector.extract_strided_slice %get3A_1 {offsets = [0, 16], sizes = [32, 8], strides = [1, 1]} : vector<32x128xf32> to vector<32x8xf32>
    %slice3A_7 = vector.extract_strided_slice %get3A_1 {offsets = [0, 24], sizes = [32, 8], strides = [1, 1]} : vector<32x128xf32> to vector<32x8xf32>
    %slice3A_8 = vector.extract_strided_slice %get3A_1 {offsets = [0, 32], sizes = [32, 8], strides = [1, 1]} : vector<32x128xf32> to vector<32x8xf32>
    %slice3A_9 = vector.extract_strided_slice %get3A_1 {offsets = [0, 40], sizes = [32, 8], strides = [1, 1]} : vector<32x128xf32> to vector<32x8xf32>
    %slice3A_10 = vector.extract_strided_slice %get3A_1 {offsets = [0, 48], sizes = [32, 8], strides = [1, 1]} : vector<32x128xf32> to vector<32x8xf32>
    %slice3A_11 = vector.extract_strided_slice %get3A_1 {offsets = [0, 56], sizes = [32, 8], strides = [1, 1]} : vector<32x128xf32> to vector<32x8xf32>
    %slice3A_12 = vector.extract_strided_slice %get3A_1 {offsets = [0, 64], sizes = [32, 8], strides = [1, 1]} : vector<32x128xf32> to vector<32x8xf32>
    %slice3A_13 = vector.extract_strided_slice %get3A_1 {offsets = [0, 72], sizes = [32, 1], strides = [1, 1]} : vector<32x128xf32> to vector<32x1xf32>
    %slice3A_14 = vector.extract_strided_slice %get3A_4 {offsets = [0, 0], sizes = [32, 48], strides = [1, 1]} : vector<32x112xf32> to vector<32x48xf32>
    %slice3A_15 = vector.extract_strided_slice %get3A_4 {offsets = [0, 48], sizes = [32, 8], strides = [1, 1]} : vector<32x112xf32> to vector<32x8xf32>
    %slice3A_16 = vector.extract_strided_slice %get3A_4 {offsets = [0, 56], sizes = [32, 8], strides = [1, 1]} : vector<32x112xf32> to vector<32x8xf32>
    %slice3A_17 = vector.extract_strided_slice %get3A_4 {offsets = [0, 64], sizes = [32, 8], strides = [1, 1]} : vector<32x112xf32> to vector<32x8xf32>
    %slice3A_18 = vector.extract_strided_slice %get3A_4 {offsets = [0, 80], sizes = [32, 8], strides = [1, 1]} : vector<32x112xf32> to vector<32x8xf32>
    %slice3A_19 = vector.extract_strided_slice %get3A_4 {offsets = [0, 96], sizes = [32, 8], strides = [1, 1]} : vector<32x112xf32> to vector<32x8xf32>
    %slice3A_20 = vector.extract_strided_slice %get3A_4 {offsets = [0, 72], sizes = [32, 8], strides = [1, 1]} : vector<32x112xf32> to vector<32x8xf32>
    %slice3A_21 = vector.extract_strided_slice %get3A_4 {offsets = [0, 88], sizes = [32, 8], strides = [1, 1]} : vector<32x112xf32> to vector<32x8xf32>
    %slice3A_22 = vector.extract_strided_slice %get3A_4 {offsets = [0, 104], sizes = [32, 8], strides = [1, 1]} : vector<32x112xf32> to vector<32x8xf32>
    %max3A = arith.constant 9.765625E-4 : f32
    %max3A_23 = vector.broadcast %max3A : f32 to vector<32x1xf32>
    %max3A_24 = arith.maximumf %slice3A_13, %max3A_23 : vector<32x1xf32>
    %div3A = arith.constant 1.000000e+00 : f32
    %div3A_25 = vector.broadcast %div3A : f32 to vector<32x1xf32>
    %div3A_26 = arith.divf %div3A_25, %max3A_24 : vector<32x1xf32>
    %iota3A = tpu.iota {dimensions = array<i32: 1>} : vector<32x48xi32>
    %convert_element_type3A = arith.sitofp %iota3A : vector<32x48xi32> to vector<32x48xf32>
    %mul3A = arith.constant 3.000000e+00 : f32
    %mul3A_27 = vector.broadcast %mul3A : f32 to vector<32x1xf32>
    %mul3A_28 = arith.mulf %mul3A_27, %slice3A_13 : vector<32x1xf32>
    %lt3A = vector.broadcast %mul3A_28 : vector<32x1xf32> to vector<32x48xf32>
    %lt3A_29 = arith.cmpf olt, %convert_element_type3A, %lt3A : vector<32x48xf32>
    %convert_element_type3A_30 = arith.extui %lt3A_29 : vector<32x48xi1> to vector<32x48xi32>
    %convert_element_type3A_31 = arith.sitofp %convert_element_type3A_30 : vector<32x48xi32> to vector<32x48xf32>
    %neg3A = arith.constant 0.000000e+00 : f32
    %neg3A_32 = vector.broadcast %neg3A : f32 to vector<32x48xf32>
    %neg3A_33 = arith.subf %neg3A_32, %slice3A_14 : vector<32x48xf32>
    %exp3A = math.exp %neg3A_33 : vector<32x48xf32>
    %add3A = arith.constant 1.000000e+00 : f32
    %add3A_34 = vector.broadcast %add3A : f32 to vector<32x48xf32>
    %add3A_35 = arith.addf %add3A_34, %exp3A : vector<32x48xf32>
    %div3A_36 = arith.constant 1.000000e+00 : f32
    %div3A_37 = vector.broadcast %div3A_36 : f32 to vector<32x48xf32>
    %div3A_38 = arith.divf %div3A_37, %add3A_35 : vector<32x48xf32>
    %jit3A = arith.constant 9.99999997E-7 : f32
    %jit3A_39 = arith.constant 0.999998986 : f32
    %max3A_40 = vector.broadcast %jit3A : f32 to vector<32x48xf32>
    %max3A_41 = arith.maximumf %max3A_40, %div3A_38 : vector<32x48xf32>
    %min3A = vector.broadcast %jit3A_39 : f32 to vector<32x48xf32>
    %min3A_42 = arith.minimumf %min3A, %max3A_41 : vector<32x48xf32>
    %log3A = math.log %min3A_42 : vector<32x48xf32>
    %mul3A_43 = arith.constant 0.000000e+00 : f32
    %mul3A_44 = vector.broadcast %mul3A_43 : f32 to vector<32x48xf32>
    %mul3A_45 = arith.mulf %mul3A_44, %log3A : vector<32x48xf32>
    %sub3A = arith.constant 1.000000e+00 : f32
    %sub3A_46 = vector.broadcast %sub3A : f32 to vector<32x48xf32>
    %sub3A_47 = arith.subf %sub3A_46, %min3A_42 : vector<32x48xf32>
    %log3A_48 = math.log %sub3A_47 : vector<32x48xf32>
    %mul3A_49 = arith.constant 1.000000e+00 : f32
    %mul3A_50 = vector.broadcast %mul3A_49 : f32 to vector<32x48xf32>
    %mul3A_51 = arith.mulf %mul3A_50, %log3A_48 : vector<32x48xf32>
    %add3A_52 = arith.addf %mul3A_45, %mul3A_51 : vector<32x48xf32>
    %neg3A_53 = arith.constant 0.000000e+00 : f32
    %neg3A_54 = vector.broadcast %neg3A_53 : f32 to vector<32x48xf32>
    %neg3A_55 = arith.subf %neg3A_54, %add3A_52 : vector<32x48xf32>
    %mul3A_56 = arith.mulf %neg3A_55, %convert_element_type3A_31 : vector<32x48xf32>
    %reduce_sum3A = arith.constant dense<0.000000e+00> : vector<32xf32>
    %reduce_sum3A_57 = vector.multi_reduction <add>, %mul3A_56, %reduce_sum3A [1] : vector<32x48xf32> to vector<32xf32>
    %broadcast_in_dim3A = vector.shape_cast %reduce_sum3A_57 : vector<32xf32> to vector<32x1xf32>
    %mul3A_58 = arith.mulf %broadcast_in_dim3A, %div3A_26 : vector<32x1xf32>
    %neg3A_59 = arith.constant 0.000000e+00 : f32
    %neg3A_60 = vector.broadcast %neg3A_59 : f32 to vector<32x8xf32>
    %neg3A_61 = arith.subf %neg3A_60, %slice3A_15 : vector<32x8xf32>
    %exp3A_62 = math.exp %neg3A_61 : vector<32x8xf32>
    %add3A_63 = arith.constant 1.000000e+00 : f32
    %add3A_64 = vector.broadcast %add3A_63 : f32 to vector<32x8xf32>
    %add3A_65 = arith.addf %add3A_64, %exp3A_62 : vector<32x8xf32>
    %div3A_66 = arith.constant 1.000000e+00 : f32
    %div3A_67 = vector.broadcast %div3A_66 : f32 to vector<32x8xf32>
    %div3A_68 = arith.divf %div3A_67, %add3A_65 : vector<32x8xf32>
    %jit3A_69 = arith.constant 9.99999997E-7 : f32
    %jit3A_70 = arith.constant 0.999998986 : f32
    %max3A_71 = vector.broadcast %jit3A_69 : f32 to vector<32x8xf32>
    %max3A_72 = arith.maximumf %max3A_71, %div3A_68 : vector<32x8xf32>
    %min3A_73 = vector.broadcast %jit3A_70 : f32 to vector<32x8xf32>
    %min3A_74 = arith.minimumf %min3A_73, %max3A_72 : vector<32x8xf32>
    %log3A_75 = math.log %min3A_74 : vector<32x8xf32>
    %mul3A_76 = arith.constant 1.000000e+00 : f32
    %mul3A_77 = vector.broadcast %mul3A_76 : f32 to vector<32x8xf32>
    %mul3A_78 = arith.mulf %mul3A_77, %log3A_75 : vector<32x8xf32>
    %sub3A_79 = arith.constant 1.000000e+00 : f32
    %sub3A_80 = vector.broadcast %sub3A_79 : f32 to vector<32x8xf32>
    %sub3A_81 = arith.subf %sub3A_80, %min3A_74 : vector<32x8xf32>
    %log3A_82 = math.log %sub3A_81 : vector<32x8xf32>
    %mul3A_83 = arith.constant 0.000000e+00 : f32
    %mul3A_84 = vector.broadcast %mul3A_83 : f32 to vector<32x8xf32>
    %mul3A_85 = arith.mulf %mul3A_84, %log3A_82 : vector<32x8xf32>
    %add3A_86 = arith.addf %mul3A_78, %mul3A_85 : vector<32x8xf32>
    %neg3A_87 = arith.constant 0.000000e+00 : f32
    %neg3A_88 = vector.broadcast %neg3A_87 : f32 to vector<32x8xf32>
    %neg3A_89 = arith.subf %neg3A_88, %add3A_86 : vector<32x8xf32>
    %mul3A_90 = arith.mulf %neg3A_89, %slice3A : vector<32x8xf32>
    %reduce_sum3A_91 = arith.constant dense<0.000000e+00> : vector<32xf32>
    %reduce_sum3A_92 = vector.multi_reduction <add>, %mul3A_90, %reduce_sum3A_91 [1] : vector<32x8xf32> to vector<32xf32>
    %broadcast_in_dim3A_93 = vector.shape_cast %reduce_sum3A_92 : vector<32xf32> to vector<32x1xf32>
    %neg3A_94 = arith.constant 0.000000e+00 : f32
    %neg3A_95 = vector.broadcast %neg3A_94 : f32 to vector<32x8xf32>
    %neg3A_96 = arith.subf %neg3A_95, %slice3A_16 : vector<32x8xf32>
    %exp3A_97 = math.exp %neg3A_96 : vector<32x8xf32>
    %add3A_98 = arith.constant 1.000000e+00 : f32
    %add3A_99 = vector.broadcast %add3A_98 : f32 to vector<32x8xf32>
    %add3A_100 = arith.addf %add3A_99, %exp3A_97 : vector<32x8xf32>
    %div3A_101 = arith.constant 1.000000e+00 : f32
    %div3A_102 = vector.broadcast %div3A_101 : f32 to vector<32x8xf32>
    %div3A_103 = arith.divf %div3A_102, %add3A_100 : vector<32x8xf32>
    %jit3A_104 = arith.constant 9.99999997E-7 : f32
    %jit3A_105 = arith.constant 0.999998986 : f32
    %max3A_106 = vector.broadcast %jit3A_104 : f32 to vector<32x8xf32>
    %max3A_107 = arith.maximumf %max3A_106, %div3A_103 : vector<32x8xf32>
    %min3A_108 = vector.broadcast %jit3A_105 : f32 to vector<32x8xf32>
    %min3A_109 = arith.minimumf %min3A_108, %max3A_107 : vector<32x8xf32>
    %log3A_110 = math.log %min3A_109 : vector<32x8xf32>
    %mul3A_111 = arith.mulf %slice3A_6, %log3A_110 : vector<32x8xf32>
    %sub3A_112 = arith.constant 1.000000e+00 : f32
    %sub3A_113 = vector.broadcast %sub3A_112 : f32 to vector<32x8xf32>
    %sub3A_114 = arith.subf %sub3A_113, %slice3A_6 : vector<32x8xf32>
    %sub3A_115 = arith.constant 1.000000e+00 : f32
    %sub3A_116 = vector.broadcast %sub3A_115 : f32 to vector<32x8xf32>
    %sub3A_117 = arith.subf %sub3A_116, %min3A_109 : vector<32x8xf32>
    %log3A_118 = math.log %sub3A_117 : vector<32x8xf32>
    %mul3A_119 = arith.mulf %sub3A_114, %log3A_118 : vector<32x8xf32>
    %add3A_120 = arith.addf %mul3A_111, %mul3A_119 : vector<32x8xf32>
    %neg3A_121 = arith.constant 0.000000e+00 : f32
    %neg3A_122 = vector.broadcast %neg3A_121 : f32 to vector<32x8xf32>
    %neg3A_123 = arith.subf %neg3A_122, %add3A_120 : vector<32x8xf32>
    %mul3A_124 = arith.mulf %neg3A_123, %slice3A_5 : vector<32x8xf32>
    %reduce_sum3A_125 = arith.constant dense<0.000000e+00> : vector<32xf32>
    %reduce_sum3A_126 = vector.multi_reduction <add>, %mul3A_124, %reduce_sum3A_125 [1] : vector<32x8xf32> to vector<32xf32>
    %broadcast_in_dim3A_127 = vector.shape_cast %reduce_sum3A_126 : vector<32xf32> to vector<32x1xf32>
    %add3A_128 = arith.addf %broadcast_in_dim3A_93, %broadcast_in_dim3A_127 : vector<32x1xf32>
    %mul3A_129 = arith.mulf %add3A_128, %div3A_26 : vector<32x1xf32>
    %neg3A_130 = arith.constant 0.000000e+00 : f32
    %neg3A_131 = vector.broadcast %neg3A_130 : f32 to vector<32x8xf32>
    %neg3A_132 = arith.subf %neg3A_131, %slice3A_17 : vector<32x8xf32>
    %exp3A_133 = math.exp %neg3A_132 : vector<32x8xf32>
    %add3A_134 = arith.constant 1.000000e+00 : f32
    %add3A_135 = vector.broadcast %add3A_134 : f32 to vector<32x8xf32>
    %add3A_136 = arith.addf %add3A_135, %exp3A_133 : vector<32x8xf32>
    %div3A_137 = arith.constant 1.000000e+00 : f32
    %div3A_138 = vector.broadcast %div3A_137 : f32 to vector<32x8xf32>
    %div3A_139 = arith.divf %div3A_138, %add3A_136 : vector<32x8xf32>
    %jit3A_140 = arith.constant 9.99999997E-7 : f32
    %jit3A_141 = arith.constant 0.999998986 : f32
    %max3A_142 = vector.broadcast %jit3A_140 : f32 to vector<32x8xf32>
    %max3A_143 = arith.maximumf %max3A_142, %div3A_139 : vector<32x8xf32>
    %min3A_144 = vector.broadcast %jit3A_141 : f32 to vector<32x8xf32>
    %min3A_145 = arith.minimumf %min3A_144, %max3A_143 : vector<32x8xf32>
    %log3A_146 = math.log %min3A_145 : vector<32x8xf32>
    %mul3A_147 = arith.mulf %slice3A_7, %log3A_146 : vector<32x8xf32>
    %sub3A_148 = arith.constant 1.000000e+00 : f32
    %sub3A_149 = vector.broadcast %sub3A_148 : f32 to vector<32x8xf32>
    %sub3A_150 = arith.subf %sub3A_149, %slice3A_7 : vector<32x8xf32>
    %sub3A_151 = arith.constant 1.000000e+00 : f32
    %sub3A_152 = vector.broadcast %sub3A_151 : f32 to vector<32x8xf32>
    %sub3A_153 = arith.subf %sub3A_152, %min3A_145 : vector<32x8xf32>
    %log3A_154 = math.log %sub3A_153 : vector<32x8xf32>
    %mul3A_155 = arith.mulf %sub3A_150, %log3A_154 : vector<32x8xf32>
    %add3A_156 = arith.addf %mul3A_147, %mul3A_155 : vector<32x8xf32>
    %neg3A_157 = arith.constant 0.000000e+00 : f32
    %neg3A_158 = vector.broadcast %neg3A_157 : f32 to vector<32x8xf32>
    %neg3A_159 = arith.subf %neg3A_158, %add3A_156 : vector<32x8xf32>
    %neg3A_160 = arith.constant 0.000000e+00 : f32
    %neg3A_161 = vector.broadcast %neg3A_160 : f32 to vector<32x8xf32>
    %neg3A_162 = arith.subf %neg3A_161, %slice3A_18 : vector<32x8xf32>
    %exp3A_163 = math.exp %neg3A_162 : vector<32x8xf32>
    %add3A_164 = arith.constant 1.000000e+00 : f32
    %add3A_165 = vector.broadcast %add3A_164 : f32 to vector<32x8xf32>
    %add3A_166 = arith.addf %add3A_165, %exp3A_163 : vector<32x8xf32>
    %div3A_167 = arith.constant 1.000000e+00 : f32
    %div3A_168 = vector.broadcast %div3A_167 : f32 to vector<32x8xf32>
    %div3A_169 = arith.divf %div3A_168, %add3A_166 : vector<32x8xf32>
    %jit3A_170 = arith.constant 9.99999997E-7 : f32
    %jit3A_171 = arith.constant 0.999998986 : f32
    %max3A_172 = vector.broadcast %jit3A_170 : f32 to vector<32x8xf32>
    %max3A_173 = arith.maximumf %max3A_172, %div3A_169 : vector<32x8xf32>
    %min3A_174 = vector.broadcast %jit3A_171 : f32 to vector<32x8xf32>
    %min3A_175 = arith.minimumf %min3A_174, %max3A_173 : vector<32x8xf32>
    %log3A_176 = math.log %min3A_175 : vector<32x8xf32>
    %mul3A_177 = arith.mulf %slice3A_8, %log3A_176 : vector<32x8xf32>
    %sub3A_178 = arith.constant 1.000000e+00 : f32
    %sub3A_179 = vector.broadcast %sub3A_178 : f32 to vector<32x8xf32>
    %sub3A_180 = arith.subf %sub3A_179, %slice3A_8 : vector<32x8xf32>
    %sub3A_181 = arith.constant 1.000000e+00 : f32
    %sub3A_182 = vector.broadcast %sub3A_181 : f32 to vector<32x8xf32>
    %sub3A_183 = arith.subf %sub3A_182, %min3A_175 : vector<32x8xf32>
    %log3A_184 = math.log %sub3A_183 : vector<32x8xf32>
    %mul3A_185 = arith.mulf %sub3A_180, %log3A_184 : vector<32x8xf32>
    %add3A_186 = arith.addf %mul3A_177, %mul3A_185 : vector<32x8xf32>
    %neg3A_187 = arith.constant 0.000000e+00 : f32
    %neg3A_188 = vector.broadcast %neg3A_187 : f32 to vector<32x8xf32>
    %neg3A_189 = arith.subf %neg3A_188, %add3A_186 : vector<32x8xf32>
    %add3A_190 = arith.addf %neg3A_159, %neg3A_189 : vector<32x8xf32>
    %neg3A_191 = arith.constant 0.000000e+00 : f32
    %neg3A_192 = vector.broadcast %neg3A_191 : f32 to vector<32x8xf32>
    %neg3A_193 = arith.subf %neg3A_192, %slice3A_19 : vector<32x8xf32>
    %exp3A_194 = math.exp %neg3A_193 : vector<32x8xf32>
    %add3A_195 = arith.constant 1.000000e+00 : f32
    %add3A_196 = vector.broadcast %add3A_195 : f32 to vector<32x8xf32>
    %add3A_197 = arith.addf %add3A_196, %exp3A_194 : vector<32x8xf32>
    %div3A_198 = arith.constant 1.000000e+00 : f32
    %div3A_199 = vector.broadcast %div3A_198 : f32 to vector<32x8xf32>
    %div3A_200 = arith.divf %div3A_199, %add3A_197 : vector<32x8xf32>
    %jit3A_201 = arith.constant 9.99999997E-7 : f32
    %jit3A_202 = arith.constant 0.999998986 : f32
    %max3A_203 = vector.broadcast %jit3A_201 : f32 to vector<32x8xf32>
    %max3A_204 = arith.maximumf %max3A_203, %div3A_200 : vector<32x8xf32>
    %min3A_205 = vector.broadcast %jit3A_202 : f32 to vector<32x8xf32>
    %min3A_206 = arith.minimumf %min3A_205, %max3A_204 : vector<32x8xf32>
    %log3A_207 = math.log %min3A_206 : vector<32x8xf32>
    %mul3A_208 = arith.mulf %slice3A_9, %log3A_207 : vector<32x8xf32>
    %sub3A_209 = arith.constant 1.000000e+00 : f32
    %sub3A_210 = vector.broadcast %sub3A_209 : f32 to vector<32x8xf32>
    %sub3A_211 = arith.subf %sub3A_210, %slice3A_9 : vector<32x8xf32>
    %sub3A_212 = arith.constant 1.000000e+00 : f32
    %sub3A_213 = vector.broadcast %sub3A_212 : f32 to vector<32x8xf32>
    %sub3A_214 = arith.subf %sub3A_213, %min3A_206 : vector<32x8xf32>
    %log3A_215 = math.log %sub3A_214 : vector<32x8xf32>
    %mul3A_216 = arith.mulf %sub3A_211, %log3A_215 : vector<32x8xf32>
    %add3A_217 = arith.addf %mul3A_208, %mul3A_216 : vector<32x8xf32>
    %neg3A_218 = arith.constant 0.000000e+00 : f32
    %neg3A_219 = vector.broadcast %neg3A_218 : f32 to vector<32x8xf32>
    %neg3A_220 = arith.subf %neg3A_219, %add3A_217 : vector<32x8xf32>
    %add3A_221 = arith.addf %add3A_190, %neg3A_220 : vector<32x8xf32>
    %mul3A_222 = arith.mulf %add3A_221, %slice3A : vector<32x8xf32>
    %reduce_sum3A_223 = arith.constant dense<0.000000e+00> : vector<32xf32>
    %reduce_sum3A_224 = vector.multi_reduction <add>, %mul3A_222, %reduce_sum3A_223 [1] : vector<32x8xf32> to vector<32xf32>
    %broadcast_in_dim3A_225 = vector.shape_cast %reduce_sum3A_224 : vector<32xf32> to vector<32x1xf32>
    %neg3A_226 = arith.constant 0.000000e+00 : f32
    %neg3A_227 = vector.broadcast %neg3A_226 : f32 to vector<32x8xf32>
    %neg3A_228 = arith.subf %neg3A_227, %slice3A_20 : vector<32x8xf32>
    %exp3A_229 = math.exp %neg3A_228 : vector<32x8xf32>
    %add3A_230 = arith.constant 1.000000e+00 : f32
    %add3A_231 = vector.broadcast %add3A_230 : f32 to vector<32x8xf32>
    %add3A_232 = arith.addf %add3A_231, %exp3A_229 : vector<32x8xf32>
    %div3A_233 = arith.constant 1.000000e+00 : f32
    %div3A_234 = vector.broadcast %div3A_233 : f32 to vector<32x8xf32>
    %div3A_235 = arith.divf %div3A_234, %add3A_232 : vector<32x8xf32>
    %jit3A_236 = arith.constant 9.99999997E-7 : f32
    %jit3A_237 = arith.constant 0.999998986 : f32
    %max3A_238 = vector.broadcast %jit3A_236 : f32 to vector<32x8xf32>
    %max3A_239 = arith.maximumf %max3A_238, %div3A_235 : vector<32x8xf32>
    %min3A_240 = vector.broadcast %jit3A_237 : f32 to vector<32x8xf32>
    %min3A_241 = arith.minimumf %min3A_240, %max3A_239 : vector<32x8xf32>
    %log3A_242 = math.log %min3A_241 : vector<32x8xf32>
    %mul3A_243 = arith.mulf %slice3A_10, %log3A_242 : vector<32x8xf32>
    %sub3A_244 = arith.constant 1.000000e+00 : f32
    %sub3A_245 = vector.broadcast %sub3A_244 : f32 to vector<32x8xf32>
    %sub3A_246 = arith.subf %sub3A_245, %slice3A_10 : vector<32x8xf32>
    %sub3A_247 = arith.constant 1.000000e+00 : f32
    %sub3A_248 = vector.broadcast %sub3A_247 : f32 to vector<32x8xf32>
    %sub3A_249 = arith.subf %sub3A_248, %min3A_241 : vector<32x8xf32>
    %log3A_250 = math.log %sub3A_249 : vector<32x8xf32>
    %mul3A_251 = arith.mulf %sub3A_246, %log3A_250 : vector<32x8xf32>
    %add3A_252 = arith.addf %mul3A_243, %mul3A_251 : vector<32x8xf32>
    %neg3A_253 = arith.constant 0.000000e+00 : f32
    %neg3A_254 = vector.broadcast %neg3A_253 : f32 to vector<32x8xf32>
    %neg3A_255 = arith.subf %neg3A_254, %add3A_252 : vector<32x8xf32>
    %neg3A_256 = arith.constant 0.000000e+00 : f32
    %neg3A_257 = vector.broadcast %neg3A_256 : f32 to vector<32x8xf32>
    %neg3A_258 = arith.subf %neg3A_257, %slice3A_21 : vector<32x8xf32>
    %exp3A_259 = math.exp %neg3A_258 : vector<32x8xf32>
    %add3A_260 = arith.constant 1.000000e+00 : f32
    %add3A_261 = vector.broadcast %add3A_260 : f32 to vector<32x8xf32>
    %add3A_262 = arith.addf %add3A_261, %exp3A_259 : vector<32x8xf32>
    %div3A_263 = arith.constant 1.000000e+00 : f32
    %div3A_264 = vector.broadcast %div3A_263 : f32 to vector<32x8xf32>
    %div3A_265 = arith.divf %div3A_264, %add3A_262 : vector<32x8xf32>
    %jit3A_266 = arith.constant 9.99999997E-7 : f32
    %jit3A_267 = arith.constant 0.999998986 : f32
    %max3A_268 = vector.broadcast %jit3A_266 : f32 to vector<32x8xf32>
    %max3A_269 = arith.maximumf %max3A_268, %div3A_265 : vector<32x8xf32>
    %min3A_270 = vector.broadcast %jit3A_267 : f32 to vector<32x8xf32>
    %min3A_271 = arith.minimumf %min3A_270, %max3A_269 : vector<32x8xf32>
    %log3A_272 = math.log %min3A_271 : vector<32x8xf32>
    %mul3A_273 = arith.mulf %slice3A_11, %log3A_272 : vector<32x8xf32>
    %sub3A_274 = arith.constant 1.000000e+00 : f32
    %sub3A_275 = vector.broadcast %sub3A_274 : f32 to vector<32x8xf32>
    %sub3A_276 = arith.subf %sub3A_275, %slice3A_11 : vector<32x8xf32>
    %sub3A_277 = arith.constant 1.000000e+00 : f32
    %sub3A_278 = vector.broadcast %sub3A_277 : f32 to vector<32x8xf32>
    %sub3A_279 = arith.subf %sub3A_278, %min3A_271 : vector<32x8xf32>
    %log3A_280 = math.log %sub3A_279 : vector<32x8xf32>
    %mul3A_281 = arith.mulf %sub3A_276, %log3A_280 : vector<32x8xf32>
    %add3A_282 = arith.addf %mul3A_273, %mul3A_281 : vector<32x8xf32>
    %neg3A_283 = arith.constant 0.000000e+00 : f32
    %neg3A_284 = vector.broadcast %neg3A_283 : f32 to vector<32x8xf32>
    %neg3A_285 = arith.subf %neg3A_284, %add3A_282 : vector<32x8xf32>
    %add3A_286 = arith.addf %neg3A_255, %neg3A_285 : vector<32x8xf32>
    %neg3A_287 = arith.constant 0.000000e+00 : f32
    %neg3A_288 = vector.broadcast %neg3A_287 : f32 to vector<32x8xf32>
    %neg3A_289 = arith.subf %neg3A_288, %slice3A_22 : vector<32x8xf32>
    %exp3A_290 = math.exp %neg3A_289 : vector<32x8xf32>
    %add3A_291 = arith.constant 1.000000e+00 : f32
    %add3A_292 = vector.broadcast %add3A_291 : f32 to vector<32x8xf32>
    %add3A_293 = arith.addf %add3A_292, %exp3A_290 : vector<32x8xf32>
    %div3A_294 = arith.constant 1.000000e+00 : f32
    %div3A_295 = vector.broadcast %div3A_294 : f32 to vector<32x8xf32>
    %div3A_296 = arith.divf %div3A_295, %add3A_293 : vector<32x8xf32>
    %jit3A_297 = arith.constant 9.99999997E-7 : f32
    %jit3A_298 = arith.constant 0.999998986 : f32
    %max3A_299 = vector.broadcast %jit3A_297 : f32 to vector<32x8xf32>
    %max3A_300 = arith.maximumf %max3A_299, %div3A_296 : vector<32x8xf32>
    %min3A_301 = vector.broadcast %jit3A_298 : f32 to vector<32x8xf32>
    %min3A_302 = arith.minimumf %min3A_301, %max3A_300 : vector<32x8xf32>
    %log3A_303 = math.log %min3A_302 : vector<32x8xf32>
    %mul3A_304 = arith.mulf %slice3A_12, %log3A_303 : vector<32x8xf32>
    %sub3A_305 = arith.constant 1.000000e+00 : f32
    %sub3A_306 = vector.broadcast %sub3A_305 : f32 to vector<32x8xf32>
    %sub3A_307 = arith.subf %sub3A_306, %slice3A_12 : vector<32x8xf32>
    %sub3A_308 = arith.constant 1.000000e+00 : f32
    %sub3A_309 = vector.broadcast %sub3A_308 : f32 to vector<32x8xf32>
    %sub3A_310 = arith.subf %sub3A_309, %min3A_302 : vector<32x8xf32>
    %log3A_311 = math.log %sub3A_310 : vector<32x8xf32>
    %mul3A_312 = arith.mulf %sub3A_307, %log3A_311 : vector<32x8xf32>
    %add3A_313 = arith.addf %mul3A_304, %mul3A_312 : vector<32x8xf32>
    %neg3A_314 = arith.constant 0.000000e+00 : f32
    %neg3A_315 = vector.broadcast %neg3A_314 : f32 to vector<32x8xf32>
    %neg3A_316 = arith.subf %neg3A_315, %add3A_313 : vector<32x8xf32>
    %add3A_317 = arith.addf %add3A_286, %neg3A_316 : vector<32x8xf32>
    %mul3A_318 = arith.mulf %add3A_317, %slice3A_5 : vector<32x8xf32>
    %reduce_sum3A_319 = arith.constant dense<0.000000e+00> : vector<32xf32>
    %reduce_sum3A_320 = vector.multi_reduction <add>, %mul3A_318, %reduce_sum3A_319 [1] : vector<32x8xf32> to vector<32xf32>
    %broadcast_in_dim3A_321 = vector.shape_cast %reduce_sum3A_320 : vector<32xf32> to vector<32x1xf32>
    %add3A_322 = arith.addf %broadcast_in_dim3A_225, %broadcast_in_dim3A_321 : vector<32x1xf32>
    %mul3A_323 = arith.mulf %add3A_322, %div3A_26 : vector<32x1xf32>
    %add3A_324 = arith.addf %mul3A_129, %mul3A_58 : vector<32x1xf32>
    %add3A_325 = arith.addf %add3A_324, %mul3A_323 : vector<32x1xf32>
    %reduce_sum3A_326 = vector.shape_cast %add3A_325 : vector<32x1xf32> to vector<1x32x1xf32>
    %reduce_sum3A_327 = arith.constant dense<0.000000e+00> : vector<1xf32>
    %reduce_sum3A_328 = vector.multi_reduction <add>, %reduce_sum3A_326, %reduce_sum3A_327 [1, 2] : vector<1x32x1xf32> to vector<1xf32>
    %reduce_sum3A_329 = vector.shape_cast %reduce_sum3A_328 : vector<1xf32> to vector<1x1x1xf32>
    %reduce_sum3A_330 = vector.extract %reduce_sum3A_329[0, 0, 0] : f32 from vector<1x1x1xf32>
    %mul3A_331 = arith.constant 3.125000e-02 : f32
    %mul3A_332 = arith.mulf %reduce_sum3A_330, %mul3A_331 : f32
    %broadcast_in_dim3A_333 = vector.broadcast %mul3A_332 : f32 to vector<1x1xf32>
    %swap3A = arith.constant 0 : index
    %swap3A_334 = arith.constant 0 : index
    %swap3A_335 = vector.load %arg2[%swap3A, %swap3A_334] : memref<1x1xf32, #tpu.memory_space<vmem>>, vector<1x1xf32>
    tpu.vector_store %arg2[%swap3A, %swap3A_334], %broadcast_in_dim3A_333 {strides = array<i32>} : memref<1x1xf32, #tpu.memory_space<vmem>>, vector<1x1xf32>,
    return
  }
}

</mosaic_0001>

<sc_bundles>
// kernel: kernel.5.cloned.1.call-start
scs
__scs_entry_jumppad:
0x0: {  	(pc) =	sbr.rel $0x88, $3  }
0x1: {  	(tag) =	ssettag $0x0;
	lr =	simm.s32 $0x1  }
0x2: {  	[smem:$0x3F9D] =	sst lr;
	_ =	strace $0xD0000000  }
0x3: {  	_ = 	snop  }
0x4: {  	_ = 	snop  }
0x5: {  	_ = 	snop  }
0x6: {  	_ = 	snop  }
0x7: {  	_ = 	snop  }
__scs_overlays_trampoline_lowered:
0x8: {  	[smem:$0x3FAC] =	sst s0  }
0x9: {  	[smem:$0x3FAD] =	sst s1  }
0xa: {  	[smem:$0x3FAE] =	sst s2  }
0xb: {  	[smem:$0x3FAF] =	sst s3  }
0xc: {  	[smem:$0x3FB0] =	sst s4  }
0xd: {  	[smem:$0x3FB1] =	sst s5  }
0xe: {  	[smem:$0x3FB2] =	sst s6  }
0xf: {  	[smem:$0x3FB3] =	sst s7  }
0x10: {  	[smem:$0x3FB4] =	sst s8  }
0x11: {  	[smem:$0x3FB5] =	sst s9;
	s0 =	simm.s32 @!p0 $0x0  }
0x12: {  	s1 =	sld [smem:$0x3F9B];
	s0 =	simm.s32 @p0 $0x1  }
0x13: {  	[smem:$0x3FB6] =	sst s0;
	s0 =	simm.s32 @!p1 $0x0  }
0x14: {  	s2 =	sld [smem:$0x3F9A];
	s0 =	simm.s32 @p1 $0x1  }
0x15: {  	[smem:$0x3FB7] =	sst s0;
	s0 =	simm.s32 @!p2 $0x0  }
0x16: {  	s3 =	sld [smem:$0x3FDB];
	s0 =	simm.s32 @p2 $0x1  }
0x17: {  	s4 =	simm.s32 $0x1BF5;
	[smem:$0x3FB9] =	sst s0  }
0x18: {  	s0 =	sld [smem:$0x3F9C];
	_ =	swait.ge [sflag:s4], $0x0  }
0x19: {  	s7 =	sld [smem:$0x3F9D]  }
0x1a: {  	s8 =	sadd.s32 $0xFFFFE003, lr  }
0x1b: {  	s9 =	sadd.s32 $0xFFFFFEF7, lr;
	s5 =	simm.s32 $0xFFFFFFFF;
	p2 =	slt.u32 s8, $0xFFFFF086  }
0x1c: {  	p1 =	slt.u32 s9, $0xF7A;
	s5 =	simm.s32 @!p2 $0x0  }
0x1d: {  	s5 =	simm.s32 @p1 $0x1;
	p0 =	seq.s32 s7, s2  }
0x1e: {  	s7 =	smul.u32 @!p0 $0xF7A, s2;
	p2 =	seq.s32 @!p0 s5, $0x0  }
0x1f: {  	s9 =	smul.u32 $0xF7A, s1;
	s8 =	simm.s32 @!p0 $0x1BF5;
	p2 =	por !p2, p0  }
0x20: {  	[sflag:s8] =	ssyncset.s32 @!p0 $0xFFFFF086;
	s6 =	sadd.s32 @!p0 s3, s7;
	s7 =	simm.s32 @!p0 $0x108  }
0x21: {  	s3 =	sadd.s32 s3, s9;
	s6 =	sadd.s32 @!p0 $0x88, s6;
	s7 =	simm.s32 @p2 $0x1082  }
0x22: {  	[simem:s7], [sflag:s8] =	dma.local @!p0 [hbm:s6], $0xF7A  }
0x23: {  	s9 =	sor.u32 $0xD0000000, s2;
	s6 =	simm.s32 $0x108;
	_ =	swait.ge @!p0 [sflag:s8], $0x0  }
0x24: {  	s3 =	sadd.s32 $0x88, s3;
	s6 =	simm.s32 @!p1 $0x1082;
	[sflag:s4] =	ssyncset.s32 $0xFFFFF086  }
0x25: {  	[simem:s6], [sflag:s4] =	dma.local [hbm:s3], $0xF7A  }
0x26: {  	[smem:$0x3F9D] =	sst s1;
	(tag) =	ssettag s2;
	_ =	strace s9  }
0x27: {  	s1 =	sld [smem:$0x3FAD]  }
0x28: {  	s2 =	sld [smem:$0x3FAE]  }
0x29: {  	s4 =	sld [smem:$0x3FB0]  }
0x2a: {  	p0 =	seq.s32 s5, $0x0;
	s5 =	sld [smem:$0x3FB1]  }
0x2b: {  	s6 =	sld [smem:$0x3FB2]  }
0x2c: {  	s7 =	sld [smem:$0x3FB3]  }
0x2d: {  	s3 =	simm.s32 $0x108;
	s8 =	sld [smem:$0x3FB4]  }
0x2e: {  	s3 =	simm.s32 @!p0 $0x1082;
	s9 =	sld [smem:$0x3FB5]  }
0x2f: {  	lr =	sadd.s32 s0, s3;
	s0 =	sld [smem:$0x3FAC]  }
0x30: {  	s3 =	sld [smem:$0x3FAF]  }
0x31: {  	[smem:$0x3FB8] =	sst s10  }
0x32: {  	s10 =	sld [smem:$0x3FB6];
	_ =	sdelay $0x3  }
0x33: {  	p0 =	seq.s32 s10, $0x1;
	s10 =	sld [smem:$0x3FB8];
	_ =	sdelay $0x3  }
0x34: {  	[smem:$0x3FB8] =	sst s10  }
0x35: {  	s10 =	sld [smem:$0x3FB7];
	_ =	sdelay $0x3  }
0x36: {  	p1 =	seq.s32 s10, $0x1;
	s10 =	sld [smem:$0x3FB8];
	_ =	sdelay $0x3  }
0x37: {  	[smem:$0x3FB8] =	sst s10  }
0x38: {  	s10 =	sld [smem:$0x3FB9]  }
0x39: {  	_ = 	snop;
	(pc) =	sbr.ind lr, $3  }
0x3a: {  	_ = 	snop  }
0x3b: {  	_ = 	snop  }
0x3c: {  	p2 =	seq.s32 s10, $0x1;
	s10 =	sld [smem:$0x3FB8]  }
0x3d: {  	_ =	shalt  }
0x3e: {  	_ =	shalt  }
0x3f: {  	_ =	shalt  }
0x40: {  	_ =	shalt  }
0x41: {  	_ =	shalt  }
0x42: {  	_ =	shalt  }
0x43: {  	_ =	shalt  }
0x44: {  	_ =	shalt  }
0x45: {  	_ =	shalt  }
0x46: {  	_ =	shalt  }
0x47: {  	_ =	shalt  }
0x48: {  	_ =	shalt  }
0x49: {  	_ =	shalt  }
0x4a: {  	_ =	shalt  }
0x4b: {  	_ =	shalt  }
0x4c: {  	_ =	shalt  }
0x4d: {  	_ =	shalt  }
0x4e: {  	_ =	shalt  }
0x4f: {  	_ =	shalt  }
0x50: {  	_ =	shalt  }
0x51: {  	_ =	shalt  }
0x52: {  	_ =	shalt  }
0x53: {  	_ =	shalt  }
0x54: {  	_ =	shalt  }
0x55: {  	_ =	shalt  }
0x56: {  	_ =	shalt  }
0x57: {  	_ =	shalt  }
0x58: {  	_ =	shalt  }
0x59: {  	_ =	shalt  }
0x5a: {  	_ =	shalt  }
0x5b: {  	_ =	shalt  }
0x5c: {  	_ =	shalt  }
0x5d: {  	_ =	shalt  }
0x5e: {  	_ =	shalt  }
0x5f: {  	_ =	shalt  }
0x60: {  	_ =	shalt  }
0x61: {  	_ =	shalt  }
0x62: {  	_ =	shalt  }
0x63: {  	_ =	shalt  }
0x64: {  	_ =	shalt  }
0x65: {  	_ =	shalt  }
0x66: {  	_ =	shalt  }
0x67: {  	_ =	shalt  }
0x68: {  	_ =	shalt  }
0x69: {  	_ =	shalt  }
0x6a: {  	_ =	shalt  }
0x6b: {  	_ =	shalt  }
0x6c: {  	_ =	shalt  }
0x6d: {  	_ =	shalt  }
0x6e: {  	_ =	shalt  }
0x6f: {  	_ =	shalt  }
0x70: {  	_ =	shalt  }
0x71: {  	_ =	shalt  }
0x72: {  	_ =	shalt  }
0x73: {  	_ =	shalt  }
0x74: {  	_ =	shalt  }
0x75: {  	_ =	shalt  }
0x76: {  	_ =	shalt  }
0x77: {  	_ =	shalt  }
0x78: {  	_ =	shalt  }
0x79: {  	_ =	shalt  }
0x7a: {  	_ =	shalt  }
0x7b: {  	_ =	shalt  }
0x7c: {  	_ =	shalt  }
0x7d: {  	_ =	shalt  }
0x7e: {  	_ =	shalt  }
0x7f: {  	_ =	shalt  }
0x80: {  	_ =	shalt  }
0x81: {  	_ =	shalt  }
0x82: {  	_ =	shalt  }
0x83: {  	_ =	shalt  }
0x84: {  	_ =	shalt  }
0x85: {  	_ =	shalt  }
0x86: {  	_ =	shalt  }
0x87: {  	_ =	shalt  }
.Lfunc_end0:
.L_simem_size_0:
called_computation_lowered:
.L_overlay_start_0:
0x88: {  	s2 =	sld [smem:$0x3FD9]  }
0x89: {  	s3 =	sld [smem:$0x3FFE];
	_ =	sdelay $0x1  }
0x8a: {  	s1 =	srdreg.scid  }
0x8b: {  	s0 =	sand.u32 $0x1, s1  }
0x8c: {  	s16 =	sshll.u32 s0, $0xA;
	s2 =	sadd.s32 s3, s2  }
0x8d: {  	s2 =	sadd.s32 s2, s16  }
0x8e: {  	[smem:$0x3FC4] =	sst s2  }
0x8f: {  	_ = 	snop  }
0x90: {  	(tm) =	ssettm $0x1  }
0x91: {  	s17 =	sld [smem:$0x3FFB];
	_ =	sdelay $0x3  }
0x92: {  	_ =	strace s17  }
0x93: {  	s2 =	sld [smem:$0x3FFC];
	_ =	sdelay $0x3  }
0x94: {  	_ =	strace s2  }
0x95: {  	s2 =	sld [smem:$0x3FFD];
	_ =	sdelay $0x3  }
0x96: {  	_ =	strace s2  }
0x97: {  	_ =	strace $0x8FFFFFFF  }
0x98: {  	s18 =	sld [smem:$0x3FDB];
	_ =	sdelay $0x1  }
0x99: {  	s19 =	simm.s32 $_scs_section_size  }
0x9a: {  	s4 =	simm.s32 $_size__tile_overlayer_lowered;
	s5 =	simm.s32 $_tile_overlayer_lowered  }
0x9b: {  	s22 =	simm.s32 $0x1BFF;
	s21 =	sshll.u32 s5, $0x1;
	s2 =	sadd.s32 s19, s18  }
0x9c: {  	s6 =	simm.s32 $0x0;
	s20 =	sshll.u32 s4, $0x1;
	s4 =	sadd.s32 s21, s2  }
0x9d: {  	[timem:s6], [sflag:s22] =	dma.local [hbm:s4], s20  }
0x9e: {  	_ =	swait.ge [sflag:s22], s20  }
0x9f: {  	s3 =	ssub.s32 $0x0, s20;
	[sflag:s22] =	ssyncset.done $0x0  }
0xa0: {  	[sflag:s22] =	ssyncadd.s32 s3;
	_ =	sdelay $0x1  }
0xa1: {  	s23 =	simm.s32 $0x1B8B  }
0xa2: {  	_ =	swait.ge [sflag:s23], $0x1  }
0xa3: {  	[sflag:s23] =	ssyncset.done $0x0  }
0xa4: {  	s25 =	simm.s32 $0x1B8E;
	s24 =	sld [smem:$0x3FFE];
	[sflag:s23] =	ssyncadd.s32 $0xFFFFFFFF  }
0xa5: {  	s26 =	simm.s32 $execute0_lowered;
	[smem:$0x3FD2] =	sst s25  }
0xa6: {  	s4 =	sshll.u32 s26, $0x1;
	_ =	strace $0x80000046;
	[dreg:$0x1] =	wrdreg $0xFFFFFFFF  }
0xa7: {  	s28 =	simm.s32 $_size_execute0_lowered;
	s2 =	sadd.s32 s2, s4;
	[dreg:$0x0] =	wrdreg $0x0  }
0xa8: {  	s4 =	sshll.u32 s28, $0x1;
	[dreg:$0x2] =	wrdreg s2  }
0xa9: {  	[dreg:$0x3] =	wrdreg s4  }
0xaa: {  	[dreg:$0x4] =	wrdreg $0xC0  }
0xab: {  	_ =	task [dreg:s6], $0x5FFFF  }
0xac: {  	[dreg:$0x1] =	wrdreg $0xFFFFFFFF  }
0xad: {  	[dreg:$0x0] =	wrdreg $0x60  }
0xae: {  	[dreg:$0x2] =	wrdreg s24  }
0xaf: {  	[dreg:$0x3] =	wrdreg $0x9  }
0xb0: {  	_ =	task.clear_ibuf [dreg:s6], $0x4FFFF;
	_ =	strace $0x90000046  }
0xb1: {  	s29 =	simm.s32 $0x9;
	_ =	strace $0x80000048  }
0xb2: {  	_ =	swait.ge [sflag:s29], $0x1  }
0xb3: {  	[sflag:s29] =	ssyncadd.s32 $0xFFFFFFFF  }
0xb4: {  	_ =	strace $0x90000048  }
0xb5: {  	_ =	sfence  }
0xb6: {  	s30 =	sld [smem:$0x0];
	_ =	sdelay $0x2  }
0xb7: {  	s31 =	sshll.u32 s1, $0xD;
	s1 =	sshrl.u32 s1, $0x2  }
0xb8: {  	s3 =	sand.u32 $0x4000, s31;
	s1 =	sadd.s32 s1, s30  }
0xb9: {  	s0 =	sor.u32 s3, s0;
	s1 =	sshll.u32 s1, $0x11  }
0xba: {  	s0 =	sor.u32 s1, s0  }
0xbb: {  	s0 =	sadd.s32 $0x8F2B, s0  }
0xbc: {  	[sflag:s0] =	ssyncadd.remote.s32 $0x1  }
0xbd: {  	_ =	sfence.sel $0xFFFF  }
0xbe: {  	[dreg:$0x0] =	wrdreg $0xFFFFFFFF;
	(pc) =	sbr.abs _section_cstart, $3  }
0xbf: {  	[dreg:$0x1] =	wrdreg $0xFFFFFFFF  }
0xc0: {  	_ =	task.clear_ibuf [dreg:s6], $0x2FFFF;
	_ =	strace $0x9FFFFFFF  }
0xc1: {  	(tm) =	ssettm $0x7FFFFFFF  }
tec
execute0_lowered:
.L_overlay_start_1:
0x0: {  	(tag) =	ssettag $0x1  }
0x1: {  	s1 =	srdreg.scid;
	s0 =	stileid.u32  }
0x2: {  	s3 =	sand.u32 $0x1, s1;
	s31 =	sshll.u32 s0, $0x1  }
0x3: {  	s5 =	rddreg [dreg:$0x0];
	s2 =	simm.s32 $0x0;
	s4 =	sor.u32 s3, s31  }
0x4: {  	s11 =	simm.s32 $0x1;
	s12 =	simm.s32 $0x2;
	s6 =	smul.u32 $0x538, s4  }
0x5: {  	s13 =	simm.s32 $0xA780;
	s14 =	simm.s32 $0x0;
	s7 =	smul.u32 $0xF9A, s4  }
0x6: {  	s1 =	rddreg [dreg:$0x1];
	s3 =	ssub.s32 $0x2, s3;
	s8 =	smul.u32 $0x6, s4  }
0x7: {  	[smem:$0x7FF] =	sst s2;
	s4 =	smul.u32 $0xE, s4;
	s9 =	sshrl.u32 s3, $0x1  }
.Ltmp0:
0x8: {  	_ =	strace $0x80000047;
	s9 =	ssub.s32 s3, s9;
	(pc) =	sbr.rel .LBB2_1-.Ltmp0, $4  }
0x9: {  	v0 =	vlaneseq.u32;
	s6 =	sadd.s32 s6, s5;
	s7 =	sadd.s32 s7, s5;
	s8 =	sadd.s32 s8, s5  }
0xa: {  	v0 =	vmul.u32 $0xFFFFFFFF, v0;
	s10 =	sadd.s32 s4, s5;
	s3 =	sadd.s32 $0xA00, s8;
	s4 =	sadd.s32 $0x20000, s6  }
0xb: {  	s5 =	sadd.s32 $0xC00, s7;
	s6 =	sadd.s32 $0x2A800, s10;
	s7 =	smax.u32 s9, $0x1  }
0xc: {  	vm0 =	vmmov $0xff;
	v0 =	vadd.s32 $0xF, v0;
	s8 =	simm.s32 $0x3;
	s9 =	simm.s32 $0x80;
	s10 =	simm.s32 $0x2A80  }
.LBB2_7:
0xd: {  	v3 =	vperm.xlane v7, v0  }
0xe: {  	v5 =	vperm.xlane v6, v0;
	[tilespmem:$0xA7B0] =	vst v2  }
0xf: {  	v1 =	vmul.u32 $0x3, v1;
	[tilespmem:$0xA780] =	vst v3;
	v3 =	vperm.xlane v4, v0  }
0x10: {  	[tilespmem:$0xA790] =	vst v5  }
0x11: {  	[tilespmem:$0xA7A0] =	vst v3  }
0x12: {  	_ =	swait.ge [sflag:s12], $0x7CD0  }
0x13: {  	[sflag:s12] =	ssyncset.done $0x0  }
0x14: {  	[sflag:s12] =	ssyncadd.s32 $0xFFFF8330  }
0x15: {  	v2 =	vld.idx.msk [tilespmem:v1+s10+$0x0], $0xffff  }
0x16: {  	v3 =	vadd.s32 $0x1, v1;
	_ =	sdelay $0x3  }
0x17: {  	[tilespmem:$0xA7C0] =	vst v2  }
0x18: {  	v2 =	vld.idx.msk [tilespmem:v3+s10+$0x0], $0xffff  }
0x19: {  	v1 =	vadd.s32 $0x2, v1;
	_ =	sdelay $0x3  }
0x1a: {  	[tilespmem:$0xA7D0] =	vst v2  }
0x1b: {  	v1 =	vld.idx.msk [tilespmem:v1+s10+$0x0], $0xffff;
	_ =	sdelay $0x2  }
0x1c: {  	s14 =	sadd.s32 $0x1, s14  }
0x1d: {  	p0 =	sne.s32 s14, s7  }
.Ltmp1:
0x1e: {  	[tilespmem:$0xA7E0] =	vst v1;
	(pc) =	sbr.rel @!p0 .LBB2_8-.Ltmp1, $4  }
0x1f: {  	[hbm4b:s6+s2] =	stream.linear.scatter [tilespmem:s13], [sflag:$0x3], $0x70, $0x38;
	[tilespmem:$0xA800] =	vst v63  }
0x20: {  	_ =	swait.ge [sflag:s8], $0x70  }
0x21: {  	[sflag:s8] =	ssyncset.done $0x0  }
0x22: {  	[sflag:s8] =	ssyncadd.s32 $0xFFFFFF90  }
.LBB2_1:
0x23: {  	[tilespmem:s2], [sflag:$0x3] =	stream.linear.gather [hbm4b:s3+s2], $0x30, $0x38;
	[tilespmem:$0xA800] =	vst v63  }
0x24: {  	_ =	swait.ge [sflag:s8], $0x30  }
0x25: {  	[sflag:s8] =	ssyncset.done $0x0  }
0x26: {  	[sflag:s8] =	ssyncadd.s32 $0xFFFFFFD0  }
0x27: {  	[tilespmem:s9], [sflag:$0x1] =	stream.linear.gather [hbm4b:s4+s2], $0x29C0, $0x38;
	[tilespmem:$0xA800] =	vst v63  }
0x28: {  	_ = 	snop  }
0x29: {  	[tilespmem:s10], [sflag:$0x2] =	stream.linear.gather [hbm4b:s5+s2], $0x7CD0, $0x38;
	[tilespmem:$0xA800] =	vst v63  }
0x2a: {  	_ =	swait.ge [sflag:s11], $0x29C0  }
0x2b: {  	[sflag:s11] =	ssyncset.done $0x0  }
0x2c: {  	[sflag:s11] =	ssyncadd.s32 $0xFFFFD640  }
0x2d: {  	v1 =	vld [tilespmem:$0x20]  }
0x2e: {  	v3 =	vld [tilespmem:$0x0];
	_ =	sdelay $0x6  }
0x2f: {  	v4 =	vimm.f32 $-Inf  }
0x30: {  	v2 =	vld.idx.msk [tilespmem:v1+s9+$0x0], $0xffff;
	[tilespmem:v3+s9+$0x0] =	vst.idx.msk $0xffff, v4  }
0x31: {  	v3 =	vld [tilespmem:$0x10];
	_ =	sdelay $0x4  }
0x32: {  	vm1 =	vne.s32 v3, $0x0  }
0x33: {  	vm1 =	vmor vm1, vm0;
	_ =	sdelay $0x5  }
0x34: {  	s15 =	simm.s32 $0x0;
	[tilespmem:v3+s9+$0x0] =	vst.idx.msk vm1, v4  }
0x35: {  	v5 =	vld [tilespmem:s15+$0x80]  }
0x36: {  	v7 =	vld [tilespmem:s15+$0x90]  }
0x37: {  	v8 =	vld [tilespmem:s15+$0xA0];
	_ =	sdelay $0x1  }
0x38: {  	v3 =	vld [tilespmem:s15+$0xB0]  }
0x39: {  	v9 =	vmax.f32 v4, v5;
	v5 =	vmin.f32 v4, v5  }
0x3a: {  	s15 =	simm.s32 $0x40;
	v11 =	vmax.f32 v4, v5;
	v5 =	vmin.f32 v4, v5;
	v12 =	vmax.f32 v9, v7  }
0x3b: {  	v6 =	vld [tilespmem:s15+$0x80];
	v13 =	vmax.f32 v4, v5;
	v4 =	vmin.f32 v9, v7;
	v7 =	vmin.f32 v12, v8  }
0x3c: {  	v5 =	vld [tilespmem:s15+$0x90];
	v12 =	vmax.f32 v12, v8;
	v10 =	vmax.f32 v11, v4;
	v9 =	vmin.f32 v11, v4  }
0x3d: {  	s16 =	simm.s32 $0x200;
	v4 =	vld [tilespmem:s15+$0xA0];
	v11 =	vmin.f32 v12, v3;
	v9 =	vmax.f32 v13, v9;
	v8 =	vmax.f32 v10, v7  }
.LBB2_2:
0x3e: {  	p0 =	sne.s32 s16, $0xA600;
	v7 =	vmin.f32 v10, v7;
	v10 =	vmax.f32 v12, v3;
	v3 =	vld [tilespmem:s15+$0xB0];
	s15 =	sshra.s32 s16, $0x2;
	s16 =	sadd.s32 $0x100, s16;
	v12 =	vmin.f32 v8, v11  }
0x3f: {  	v8 =	vmax.f32 v8, v11;
	v13 =	vld [tilespmem:s15+$0x80];
	v7 =	vmax.f32 v9, v7  }
.Ltmp2:
0x40: {  	v9 =	vmax.f32 v10, v6;
	v6 =	vmin.f32 v10, v6;
	v7 =	vmax.f32 v7, v12;
	(pc) =	sbr.rel @p0 .LBB2_2-.Ltmp2, $4  }
0x41: {  	v11 =	vmax.f32 v8, v6;
	v6 =	vmin.f32 v8, v6;
	v8 =	vmax.f32 v9, v5  }
0x42: {  	v14 =	vmax.f32 v7, v6;
	v9 =	vmin.f32 v9, v5;
	v7 =	vmin.f32 v8, v4  }
0x43: {  	v10 =	vmax.f32 v11, v9;
	v9 =	vmin.f32 v11, v9;
	v12 =	vmax.f32 v8, v4;
	v5 =	vld [tilespmem:s15+$0x90]  }
0x44: {  	v9 =	vmax.f32 v14, v9;
	v8 =	vmax.f32 v10, v7;
	v11 =	vmin.f32 v12, v3;
	v4 =	vld [tilespmem:s15+$0xA0];
	v6 =	vmovc v13  }
0x45: {  	v7 =	vmin.f32 v10, v7;
	v3 =	vmax.f32 v12, v3;
	v60 =	vmin.f32 v8, v11  }
0x46: {  	v61 =	vld [tilespmem:s15+$0xB0];
	v8 =	vmax.f32 v8, v11;
	v7 =	vmax.f32 v9, v7;
	v62 =	vmin.f32 v3, v6  }
0x47: {  	v3 =	vmax.f32 v3, v6;
	v6 =	vmax.f32 v7, v60;
	v7 =	vmax.f32 v8, v62  }
0x48: {  	v8 =	vmin.f32 v8, v62;
	v63 =	vmax.f32 v3, v5;
	v3 =	vmin.f32 v3, v5  }
0x49: {  	v5 =	vmax.f32 v6, v8;
	v6 =	vmin.f32 v63, v4;
	v8 =	vmin.f32 v7, v3  }
0x4a: {  	v3 =	vmax.f32 v7, v3;
	v4 =	vmax.f32 v63, v4;
	v5 =	vmax.f32 v5, v8  }
0x4b: {  	v7 =	vmax.f32 v3, v6;
	v4 =	vmin.f32 v4, v61;
	v3 =	vmin.f32 v3, v6  }
0x4c: {  	v4 =	vmin.f32 v7, v4;
	v3 =	vmax.f32 v5, v3  }
0x4d: {  	v3 =	vmax.f32 v3, v4  }
0x4e: {  	(xrf0) =	vmin.scan.msk.f32 $0xffff, v3;
	_ =	sdelay $0x5  }
0x4f: {  	v3, _, _ =	vpop (xrf0)  }
0x50: {  	(v2sf) =	vpush v3, $0xF;
	_ =	sdelay $0xb  }
.Ltmp3:
0x51: {  	_ = 	snop;
	(pc) =	sbr.rel .LBB2_4-.Ltmp3, $3  }
0x52: {  	_ =	sdelay $0x1  }
0x53: {  	s15 =	spop (v2sf)  }
0x54: {  	s16 =	simm.s32 $0x0;
	v6 =	vimm.f32 $-Inf;
	v7 =	vimm.f32 $-Inf;
	v4 =	vimm.f32 $-Inf;
	s17 =	smov.u32 s15  }
.LBB2_6:
0x55: {  	s16 =	sadd.s32 $0x100, s16  }
0x56: {  	p0 =	sne.s32 s16, $0xA700  }
.Ltmp4:
0x57: {  	_ = 	snop;
	(pc) =	sbr.rel @!p0 .LBB2_7-.Ltmp4, $1  }
0x58: {  	_ =	sdelay $0x3  }
.LBB2_4:
0x59: {  	s18 =	sshra.s32 s16, $0x2  }
0x5a: {  	v9 =	vld [tilespmem:s18+$0x80]  }
0x5b: {  	v8 =	vld [tilespmem:s18+$0x90]  }
0x5c: {  	v5 =	vld [tilespmem:s18+$0xA0]  }
0x5d: {  	v3 =	vld [tilespmem:s18+$0xB0];
	_ =	sdelay $0x4  }
0x5e: {  	v10 =	vmax.f32 v9, v8;
	v11 =	vmax.f32 v5, v3  }
0x5f: {  	v10 =	vmax.f32 v10, v11  }
0x60: {  	(xrf0) =	vmax.scan.msk.f32 $0xffff, v10;
	_ =	sdelay $0x5  }
0x61: {  	v10, _, _ =	vpop (xrf0)  }
0x62: {  	(v2sf) =	vpush v10, $0xF;
	_ =	sdelay $0xe  }
0x63: {  	s31 =	spop (v2sf)  }
0x64: {  	p0 =	sge.f32 s31, s17  }
.Ltmp5:
0x65: {  	_ = 	snop;
	(pc) =	sbr.rel @!p0 .LBB2_6-.Ltmp5, $1  }
0x66: {  	_ =	sdelay $0x3  }
0x67: {  	(xrf0) =	vmax.scan.msk.f32 $0xffff, v9;
	_ =	sdelay $0x5  }
0x68: {  	v10, _, _ =	vpop (xrf0)  }
0x69: {  	(v2sf) =	vpush v10, $0xF;
	_ =	sdelay $0xe  }
0x6a: {  	s18 =	spop (v2sf)  }
0x6b: {  	p1 =	sge.f32 s18, s17;
	_ =	sdelay $0x1  }
0x6c: {  	(xrf1) =	vsort.ascd.msk.f32 @p1 $0xffff, v9, v9;
	_ =	sdelay $0xa  }
0x6d: {  	v9 =	vlaneseq.u32 @p1  }
0x6e: {  	v9 =	vmul.u32 @p1 $0xFFFFFFFF, v9;
	_ =	sdelay $0x1  }
0x6f: {  	v9 =	vadd.s32 @p1 $0xF, v9;
	v10, _, _ =	vpop @p1 (xrf1)  }
0x70: {  	v10 =	vperm.xlane @p1 v10, v9;
	_ =	sdelay $0x1  }
0x71: {  	v11 =	vmax.f32 @p1 v7, v10  }
0x72: {  	v10 =	vmin.f32 @p1 v7, v10;
	(xrf1) =	vsort.ascd.msk.f32 @p1 $0xffff, v11, v11  }
0x73: {  	(xrf1) =	vsort.ascd.msk.f32 @p1 $0xffff, v10, v10;
	_ =	sdelay $0xc  }
0x74: {  	v10, _, _ =	vpop @p1 (xrf1)  }
0x75: {  	v11, _, _ =	vpop @p1 (xrf1)  }
0x76: {  	v11 =	vperm.xlane @p1 v11, v9;
	_ =	sdelay $0x1  }
0x77: {  	v12 =	vmax.f32 @p1 v6, v11  }
0x78: {  	v11 =	vmin.f32 @p1 v6, v11;
	(xrf1) =	vsort.ascd.msk.f32 @p1 $0xffff, v12, v12  }
0x79: {  	(xrf1) =	vsort.ascd.msk.f32 @p1 $0xffff, v11, v11;
	_ =	sdelay $0xc  }
0x7a: {  	v11, _, _ =	vpop @p1 (xrf1)  }
0x7b: {  	v12, _, _ =	vpop @p1 (xrf1)  }
0x7c: {  	v9 =	vperm.xlane @p1 v12, v9;
	_ =	sdelay $0x1  }
0x7d: {  	v9 =	vmax.f32 @p1 v4, v9  }
0x7e: {  	(xrf1) =	vsort.ascd.msk.f32 @p1 $0xffff, v9, v9;
	_ =	sdelay $0xd  }
0x7f: {  	v9, _, _ =	vpop @p1 (xrf1)  }
0x80: {  	(xrf0) =	vmin.scan.msk.f32 @p1 $0xffff, v9;
	_ =	sdelay $0x1  }
0x81: {  	(xrf0) =	vmax.scan.msk.f32 $0xffff, v8;
	_ =	sdelay $0x3  }
0x82: {  	v12, _, _ =	vpop @p1 (xrf0)  }
0x83: {  	(v2sf) =	vpush @p1 v12, $0xF  }
0x84: {  	v62, _, _ =	vpop (xrf0)  }
0x85: {  	(v2sf) =	vpush v62, $0xF;
	_ =	sdelay $0xc  }
0x86: {  	s18 =	spop @p1 (v2sf)  }
0x87: {  	s18 =	smax.f32 @p1 s15, s18  }
0x88: {  	s29 =	spop (v2sf);
	s17 =	smov.u32 @p1 s18  }
0x89: {  	p0 =	sge.f32 s29, s17;
	_ =	sdelay $0x1  }
0x8a: {  	(xrf1) =	vsort.ascd.msk.f32 @p0 $0xffff, v8, v8;
	_ =	sdelay $0xa  }
0x8b: {  	v8 =	vlaneseq.u32 @p0  }
0x8c: {  	v8 =	vmul.u32 @p0 $0xFFFFFFFF, v8;
	_ =	sdelay $0x1  }
0x8d: {  	v8 =	vadd.s32 @p0 $0xF, v8;
	v12, _, _ =	vpop @p0 (xrf1)  }
0x8e: {  	v12 =	vperm.xlane @p0 v12, v8  }
0x8f: {  	v7 =	vpsel p1, v10, v7  }
0x90: {  	v10 =	vmax.f32 @p0 v7, v12  }
0x91: {  	(xrf1) =	vsort.ascd.msk.f32 @p0 $0xffff, v10, v10;
	v10 =	vmin.f32 @p0 v7, v12  }
0x92: {  	(xrf1) =	vsort.ascd.msk.f32 @p0 $0xffff, v10, v10;
	_ =	sdelay $0xc  }
0x93: {  	v10, _, _ =	vpop @p0 (xrf1)  }
0x94: {  	v12, _, _ =	vpop @p0 (xrf1)  }
0x95: {  	v12 =	vperm.xlane @p0 v12, v8  }
0x96: {  	v6 =	vpsel p1, v11, v6  }
0x97: {  	v11 =	vmax.f32 @p0 v6, v12  }
0x98: {  	(xrf1) =	vsort.ascd.msk.f32 @p0 $0xffff, v11, v11;
	v11 =	vmin.f32 @p0 v6, v12  }
0x99: {  	(xrf1) =	vsort.ascd.msk.f32 @p0 $0xffff, v11, v11;
	_ =	sdelay $0xc  }
0x9a: {  	v11, _, _ =	vpop @p0 (xrf1)  }
0x9b: {  	v12, _, _ =	vpop @p0 (xrf1)  }
0x9c: {  	v8 =	vperm.xlane @p0 v12, v8  }
0x9d: {  	v4 =	vpsel p1, v9, v4  }
0x9e: {  	v8 =	vmax.f32 @p0 v4, v8  }
0x9f: {  	(xrf1) =	vsort.ascd.msk.f32 @p0 $0xffff, v8, v8;
	_ =	sdelay $0xd  }
0xa0: {  	v8, _, _ =	vpop @p0 (xrf1)  }
0xa1: {  	(xrf0) =	vmin.scan.msk.f32 @p0 $0xffff, v8;
	_ =	sdelay $0x1  }
0xa2: {  	(xrf0) =	vmax.scan.msk.f32 $0xffff, v5;
	_ =	sdelay $0x3  }
0xa3: {  	v9, _, _ =	vpop @p0 (xrf0)  }
0xa4: {  	(v2sf) =	vpush @p0 v9, $0xF  }
0xa5: {  	v63, _, _ =	vpop (xrf0)  }
0xa6: {  	(v2sf) =	vpush v63, $0xF;
	_ =	sdelay $0xc  }
0xa7: {  	s18 =	spop @p0 (v2sf)  }
0xa8: {  	s18 =	smax.f32 @p0 s15, s18  }
0xa9: {  	s30 =	spop (v2sf);
	s17 =	smov.u32 @p0 s18  }
0xaa: {  	p1 =	sge.f32 s30, s17;
	_ =	sdelay $0x1  }
0xab: {  	(xrf1) =	vsort.ascd.msk.f32 @p1 $0xffff, v5, v5;
	_ =	sdelay $0xa  }
0xac: {  	v5 =	vlaneseq.u32 @p1  }
0xad: {  	v5 =	vmul.u32 @p1 $0xFFFFFFFF, v5;
	_ =	sdelay $0x1  }
0xae: {  	v5 =	vadd.s32 @p1 $0xF, v5;
	v9, _, _ =	vpop @p1 (xrf1)  }
0xaf: {  	v9 =	vperm.xlane @p1 v9, v5  }
0xb0: {  	v7 =	vpsel p0, v10, v7  }
0xb1: {  	v10 =	vmax.f32 @p1 v7, v9  }
0xb2: {  	v9 =	vmin.f32 @p1 v7, v9;
	(xrf1) =	vsort.ascd.msk.f32 @p1 $0xffff, v10, v10  }
0xb3: {  	(xrf1) =	vsort.ascd.msk.f32 @p1 $0xffff, v9, v9;
	_ =	sdelay $0xc  }
0xb4: {  	v9, _, _ =	vpop @p1 (xrf1)  }
0xb5: {  	v10, _, _ =	vpop @p1 (xrf1)  }
0xb6: {  	v10 =	vperm.xlane @p1 v10, v5  }
0xb7: {  	v6 =	vpsel p0, v11, v6  }
0xb8: {  	v11 =	vmax.f32 @p1 v6, v10  }
0xb9: {  	v10 =	vmin.f32 @p1 v6, v10;
	(xrf1) =	vsort.ascd.msk.f32 @p1 $0xffff, v11, v11  }
0xba: {  	(xrf1) =	vsort.ascd.msk.f32 @p1 $0xffff, v10, v10;
	_ =	sdelay $0xc  }
0xbb: {  	v10, _, _ =	vpop @p1 (xrf1)  }
0xbc: {  	v11, _, _ =	vpop @p1 (xrf1)  }
0xbd: {  	v5 =	vperm.xlane @p1 v11, v5  }
0xbe: {  	v4 =	vpsel p0, v8, v4  }
0xbf: {  	v5 =	vmax.f32 @p1 v4, v5  }
0xc0: {  	(xrf1) =	vsort.ascd.msk.f32 @p1 $0xffff, v5, v5;
	_ =	sdelay $0xd  }
0xc1: {  	v5, _, _ =	vpop @p1 (xrf1)  }
0xc2: {  	(xrf0) =	vmin.scan.msk.f32 @p1 $0xffff, v5;
	_ =	sdelay $0x1  }
0xc3: {  	(xrf0) =	vmax.scan.msk.f32 $0xffff, v3;
	_ =	sdelay $0x3  }
0xc4: {  	v8, _, _ =	vpop @p1 (xrf0)  }
0xc5: {  	(v2sf) =	vpush @p1 v8, $0xF  }
0xc6: {  	v8, _, _ =	vpop (xrf0)  }
0xc7: {  	(v2sf) =	vpush v8, $0xF;
	_ =	sdelay $0xc  }
0xc8: {  	s18 =	spop @p1 (v2sf)  }
0xc9: {  	s18 =	smax.f32 @p1 s15, s18  }
0xca: {  	s31 =	spop (v2sf);
	s17 =	smov.u32 @p1 s18  }
0xcb: {  	p0 =	sge.f32 s31, s17;
	_ =	sdelay $0x1  }
0xcc: {  	(xrf1) =	vsort.ascd.msk.f32 @p0 $0xffff, v3, v3;
	_ =	sdelay $0xa  }
0xcd: {  	v3 =	vlaneseq.u32 @p0  }
0xce: {  	v3 =	vmul.u32 @p0 $0xFFFFFFFF, v3;
	_ =	sdelay $0x1  }
0xcf: {  	v3 =	vadd.s32 @p0 $0xF, v3;
	v8, _, _ =	vpop @p0 (xrf1)  }
0xd0: {  	v8 =	vperm.xlane @p0 v8, v3  }
0xd1: {  	v7 =	vpsel p1, v9, v7  }
0xd2: {  	v9 =	vmax.f32 @p0 v7, v8  }
0xd3: {  	v8 =	vmin.f32 @p0 v7, v8;
	(xrf1) =	vsort.ascd.msk.f32 @p0 $0xffff, v9, v9  }
0xd4: {  	(xrf1) =	vsort.ascd.msk.f32 @p0 $0xffff, v8, v8;
	_ =	sdelay $0xc  }
0xd5: {  	v8, _, _ =	vpop @p0 (xrf1)  }
0xd6: {  	v9, _, _ =	vpop @p0 (xrf1)  }
0xd7: {  	v9 =	vperm.xlane @p0 v9, v3  }
0xd8: {  	v6 =	vpsel p1, v10, v6  }
0xd9: {  	v10 =	vmax.f32 @p0 v6, v9  }
0xda: {  	v9 =	vmin.f32 @p0 v6, v9;
	(xrf1) =	vsort.ascd.msk.f32 @p0 $0xffff, v10, v10  }
0xdb: {  	(xrf1) =	vsort.ascd.msk.f32 @p0 $0xffff, v9, v9;
	_ =	sdelay $0xc  }
0xdc: {  	v9, _, _ =	vpop @p0 (xrf1)  }
0xdd: {  	v10, _, _ =	vpop @p0 (xrf1)  }
0xde: {  	v3 =	vperm.xlane @p0 v10, v3  }
0xdf: {  	v4 =	vpsel p1, v5, v4  }
0xe0: {  	v3 =	vmax.f32 @p0 v4, v3  }
0xe1: {  	(xrf1) =	vsort.ascd.msk.f32 @p0 $0xffff, v3, v3;
	_ =	sdelay $0xd  }
0xe2: {  	v3, _, _ =	vpop @p0 (xrf1)  }
0xe3: {  	(xrf0) =	vmin.scan.msk.f32 @p0 $0xffff, v3;
	_ =	sdelay $0x5  }
0xe4: {  	v5, _, _ =	vpop @p0 (xrf0)  }
0xe5: {  	(v2sf) =	vpush @p0 v5, $0xF;
	_ =	sdelay $0xc  }
.Ltmp6:
0xe6: {  	_ = 	snop;
	(pc) =	sbr.rel .LBB2_6-.Ltmp6, $4  }
0xe7: {  	_ = 	snop  }
0xe8: {  	s18 =	spop @p0 (v2sf)  }
0xe9: {  	s18 =	smax.f32 @p0 s15, s18  }
0xea: {  	v7 =	vpsel p0, v8, v7;
	v6 =	vpsel p0, v9, v6;
	v4 =	vpsel p0, v3, v4;
	s17 =	smov.u32 @p0 s18  }
.LBB2_8:
0xeb: {  	_ =	sfence.sel $0x180000  }
0xec: {  	[bflag:$0x0] =	sbarrier.arrive $0xFFFF  }
0xed: {  	p0 =	sne.s32 s0, $0x0;
	_ =	strace $0x90000047  }
0xee: {  	s0 =	sadd.s32 @!p0 $0x100000, s1;
	[bflag:$0x2] =	sbarrier.arrive $0xFFFF  }
0xef: {  	[sflag:s0] =	ssyncadd.tile.s32 @!p0 $0x1;
	_ =	shalt  }
.Lfunc_end2:
_tile_overlayer_lowered:
.L_overlay_start_2:
0xf0: {  	(tag) =	ssettag $0x2  }
0xf1: {  	s0 =	rddreg [dreg:$0x0];
	s2 =	stileid.u32  }
0xf2: {  	s1 =	rddreg [dreg:$0x1];
	p0 =	sne.s32 s2, $0x0  }
0xf3: {  	s3 =	rddreg [dreg:$0x2];
	[bflag:$0x3] =	sbarrier.arrive $0xFFFF;
	s2 =	simm.s32 @!p0 $0x1C03  }
0xf4: {  	[timem:s3], [sflag:s2] =	dma.local @!p0 [hbm:s0], s1  }
0xf5: {  	s0 =	simm.s32 @!p0 $0x3  }
0xf6: {  	_ =	swait.ge @!p0 [sflag:s0], s1  }
0xf7: {  	s1 =	ssub.s32 @!p0 $0x0, s1;
	[sflag:s0] =	ssyncset.done @!p0 $0x0  }
0xf8: {  	[sflag:s0] =	ssyncadd.s32 @!p0 s1  }
0xf9: {  	[bflag:$0x3] =	sbarrier.arrive $0xFFFF  }
0xfa: {  	_ =	shalt  }

</sc_bundles>
